<compile_context>
chip_gen: v7x
topology: tpu7x:2x2x1
jax: 0.10.2.dev20260603
libtpu: 0.0.44.dev20260713+nightly
codegen_flags: <defaults>
</compile_context>

<pallas_src>
import functools
import math

import jax
import jax.numpy as jnp
from jax import lax
from jax.experimental import pallas as pl
from jax.experimental.pallas import tpu as pltpu
from jax.experimental.pallas import tpu_sc as plsc

D = 64
IDX_CHUNK = 128
NBUF = 2


def _sc_gather_quads(upack, ipack, uhi2, ihi2, n_workers, chunks):
    B = n_workers * chunks * IDX_CHUNK

    mesh = plsc.VectorSubcoreMesh(core_axis_name="c", subcore_axis_name="s")
    NC = plsc.get_sparse_core_info().num_cores

    @functools.partial(
        pl.kernel,
        out_type=(
            jax.ShapeDtypeStruct((B, 2 * D), jnp.int32),
            jax.ShapeDtypeStruct((B, 2 * D), jnp.int32),
        ),
        mesh=mesh,
        scratch_types=[
            pltpu.VMEM((NBUF, IDX_CHUNK), jnp.int32),
            pltpu.VMEM((NBUF, IDX_CHUNK, 2 * D), jnp.int32),
            pltpu.SemaphoreType.DMA,
            pltpu.SemaphoreType.DMA,
        ],
    )
    def k(upk, ipk, uhi, ihi, uqo, iqo, idx_v, rows_v, sem0, sem1):
        sems = (sem0, sem1)
        wid = lax.axis_index("s") * NC + lax.axis_index("c")
        units = []
        for t in range(2):
            tab = (upk, ipk)[t]
            ids = (uhi, ihi)[t]
            out = (uqo, iqo)[t]
            for c in range(chunks):
                units.append((tab, ids, out, c))

        def issue(j, slot):
            tab, ids, out, c = units[j]
            row = wid * chunks + c
            pltpu.sync_copy(ids.at[row], idx_v.at[slot])
            return pltpu.async_copy(tab.at[idx_v.at[slot]], rows_v.at[slot],
                                    sems[slot])

        def retire(j, slot, cp):
            _, _, out, c = units[j]
            row = wid * chunks + c
            cp.wait()
            pltpu.sync_copy(rows_v.at[slot], out.at[pl.ds(row * IDX_CHUNK,
                                                          IDX_CHUNK)])

        inflight = []
        for j in range(len(units)):
            slot = j % NBUF
            if len(inflight) == NBUF:
                retire(j - NBUF, slot, inflight.pop(0))
            inflight.append(issue(j, slot))
        nu = len(units)
        for i, cp in enumerate(inflight):
            j = nu - len(inflight) + i
            retire(j, j % NBUF, cp)

    return k(upack, ipack, uhi2, ihi2)


PACK_BLK = 2048


def _pack_body(tt_ref, eye_ref, out_ref, *, nfull, tail_q):
    blk_t = jnp.transpose(tt_ref[...])
    bits = lax.bitcast_convert_type(blk_t, jnp.int32)
    rne = (bits + jnp.int32(0x7FFF) + ((bits >> 16) & 1)) >> 16
    packed = (rne[:, 32:64] << 16) | (rne[:, 0:32] & jnp.int32(0xFFFF))

    def store(q):
        for u in range(4):
            out_ref[0:q, 32 * u:32 * (u + 1)] = packed[u * q:(u + 1) * q, :]

    if tail_q:
        @pl.when(pl.program_id(0) < nfull)
        def _():
            store(PACK_BLK // 4)

        @pl.when(pl.program_id(0) == nfull)
        def _():
            store(tail_q)
    else:
        store(PACK_BLK // 4)


def _pack_table(tt):
    n = tt.shape[1]
    nfull = n // PACK_BLK
    tail_q = (n - nfull * PACK_BLK) // 4
    eye = jnp.eye(D, dtype=jnp.float32)
    return pl.pallas_call(
        functools.partial(_pack_body, nfull=nfull, tail_q=tail_q),
        grid=(nfull + (1 if tail_q else 0),),
        in_specs=[pl.BlockSpec((D, PACK_BLK), lambda i: (0, i)),
                  pl.BlockSpec((D, D), lambda i: (0, 0))],
        out_specs=pl.BlockSpec((PACK_BLK // 4, 128), lambda i: (i, 0)),
        out_shape=jax.ShapeDtypeStruct((n // 4, 128), jnp.int32),
    )(tt, eye)


def _unpack_sel(q_ref, qsel):
    x01 = jnp.where(qsel < 1, q_ref[:, 0:32], q_ref[:, 32:64])
    x23 = jnp.where(qsel < 3, q_ref[:, 64:96], q_ref[:, 96:128])
    x = jnp.where(qsel < 2, x01, x23)
    lo = lax.bitcast_convert_type(x << 16, jnp.float32)
    hi = lax.bitcast_convert_type(
        x & jnp.int32(-65536), jnp.float32)
    return lo, hi


def _mlp_body(uq_ref, iq_ref, us_ref, is_ref,
              w0ue_ref, w0uo_ref, w0ie_ref, w0io_ref,
              b0_ref, g0_ref, bt0_ref,
              w1_ref, b1_ref, g1_ref, bt1_ref,
              w2_ref, b2_ref, g2_ref, bt2_ref,
              wo_ref, bo_ref, out_ref):
    inv = 1.0 / math.sqrt(1.0 + 1e-5)
    ue_e, ue_o = _unpack_sel(uq_ref, us_ref[...])
    ie_e, ie_o = _unpack_sel(iq_ref, is_ref[...])
    x = (jnp.dot(ue_e, w0ue_ref[...], preferred_element_type=jnp.float32)
         + jnp.dot(ue_o, w0uo_ref[...], preferred_element_type=jnp.float32)
         + jnp.dot(ie_e, w0ie_ref[...], preferred_element_type=jnp.float32)
         + jnp.dot(ie_o, w0io_ref[...], preferred_element_type=jnp.float32)
         + b0_ref[...])
    x = g0_ref[...] * (jnp.maximum(x, 0.0) * inv) + bt0_ref[...]
    x = jnp.dot(x, w1_ref[...], preferred_element_type=jnp.float32) + b1_ref[...]
    x = g1_ref[...] * (jnp.maximum(x, 0.0) * inv) + bt1_ref[...]
    x = jnp.dot(x, w2_ref[...], preferred_element_type=jnp.float32) + b2_ref[...]
    x = g2_ref[...] * (jnp.maximum(x, 0.0) * inv) + bt2_ref[...]
    o = jnp.dot(x, wo_ref[...], preferred_element_type=jnp.float32) + bo_ref[...]
    out_ref[...] = jax.nn.sigmoid(o)


def _mlp(uq, iq, usel, isel, W0, b0, g0, bt0, W1, b1, g1, bt1,
         W2, b2, g2, bt2, Wo, bo, block_m):
    B = uq.shape[0]
    grid = (B // block_m,)

    def batch_spec(cols):
        return pl.BlockSpec((block_m, cols), lambda i: (i, 0))

    def full_spec(arr):
        return pl.BlockSpec(arr.shape, lambda i: (0,) * arr.ndim)

    row = lambda v: v.reshape(1, -1)
    args = (uq, iq, usel, isel,
            W0[0:32, :], W0[32:64, :], W0[64:96, :], W0[96:128, :],
            row(b0), row(g0), row(bt0),
            W1, row(b1), row(g1), row(bt1),
            W2, row(b2), row(g2), row(bt2),
            Wo, row(bo))
    in_specs = ([batch_spec(2 * D), batch_spec(2 * D),
                 batch_spec(1), batch_spec(1)]
                + [full_spec(a) for a in args[4:]])
    return pl.pallas_call(
        _mlp_body,
        grid=grid,
        in_specs=in_specs,
        out_specs=pl.BlockSpec((block_m, 1), lambda i: (i, 0)),
        out_shape=jax.ShapeDtypeStruct((B, 1), jnp.float32),
    )(*args)


def kernel(user_ids, item_ids, user_table, item_table,
           W0, b0, gamma0, beta0,
           W1, b1, gamma1, beta1,
           W2, b2, gamma2, beta2,
           Wo, bo):
    B = user_ids.shape[0]
    info = plsc.get_sparse_core_info()
    n_workers = info.num_cores * info.num_subcores
    chunks = B // (n_workers * IDX_CHUNK)
    upack = _pack_table(user_table.T)
    ipack = _pack_table(item_table.T)
    uid = user_ids.astype(jnp.int32)
    iid = item_ids.astype(jnp.int32)
    n = user_table.shape[0]
    nfull = n // PACK_BLK
    tail_q = (n - nfull * PACK_BLK) // 4
    q = PACK_BLK // 4

    def qrow_sel(i):
        m = i - nfull * PACK_BLK
        row = jnp.where(m < 0, (i // PACK_BLK) * q + i % q,
                        nfull * q + jnp.where(m < 0, 0, m) % max(tail_q, 1))
        sel = jnp.where(m < 0, (i % PACK_BLK) // q,
                        jnp.where(m < 0, 0, m) // max(tail_q, 1))
        return row, sel

    urow, usel = qrow_sel(uid)
    irow, isel = qrow_sel(iid)
    uhi2 = urow.reshape(n_workers * chunks, IDX_CHUNK)
    ihi2 = irow.reshape(n_workers * chunks, IDX_CHUNK)
    uq, iq = _sc_gather_quads(upack, ipack, uhi2, ihi2, n_workers, chunks)
    usel = usel.reshape(B, 1)
    isel = isel.reshape(B, 1)
    out = _mlp(uq, iq, usel, isel,
               W0, b0, gamma0, beta0, W1, b1, gamma1, beta1,
               W2, b2, gamma2, beta2, Wo, bo, block_m=2048)
    return out.reshape(B)

# --- scband reference (transcript-rebuilt; emitter-appended) ---
"""Pipeline reference for scband-neural-cf-29068338659490 (READ-ONLY COPY).

The authoritative reference and input builder live on the scoring server;
editing this copy changes nothing except your own understanding.
"""

import jax, jax.numpy as jnp
import numpy as np

N_USERS = 1_000_000
N_ITEMS = 1_000_000
D = 64
B = 16384
HID = [128, 64, 32]


def _xavier(key, fan_in, fan_out):
    limit = np.sqrt(6.0 / (fan_in + fan_out))
    return jax.random.uniform(key, (fan_in, fan_out), minval=-limit, maxval=limit, dtype=jnp.float32)


def setup_inputs(seed: int = 0) -> dict:
    key = jax.random.key(seed)
    ks = jax.random.split(key, 16)
    inp = {}
    inp["user_ids"] = jax.random.randint(ks[0], (B,), 0, N_USERS, dtype=jnp.int64 if jax.config.read('jax_enable_x64') else jnp.int32)
    inp["item_ids"] = jax.random.randint(ks[1], (B,), 0, N_ITEMS, dtype=jnp.int64 if jax.config.read('jax_enable_x64') else jnp.int32)
    inp["user_table"] = (jax.random.normal(ks[2], (N_USERS, D), dtype=jnp.float32) * 0.01)
    inp["item_table"] = (jax.random.normal(ks[3], (N_ITEMS, D), dtype=jnp.float32) * 0.01)
    dims = [2 * D] + HID
    for i in range(len(HID)):
        inp[f"W{i}"] = _xavier(ks[4 + i], dims[i], dims[i + 1])
        inp[f"b{i}"] = jnp.zeros((dims[i + 1],), dtype=jnp.float32)
        inp[f"gamma{i}"] = jnp.ones((dims[i + 1],), dtype=jnp.float32)
        inp[f"beta{i}"] = jnp.zeros((dims[i + 1],), dtype=jnp.float32)
    inp["Wo"] = _xavier(ks[10], HID[-1], 1)
    inp["bo"] = jnp.zeros((1,), dtype=jnp.float32)
    return inp


def reference(user_ids, item_ids, user_table, item_table,
              W0, b0, gamma0, beta0,
              W1, b1, gamma1, beta1,
              W2, b2, gamma2, beta2,
              Wo, bo):
    # Embedding lookups (SparseCore-style gathers)
    ue = jnp.take(user_table, user_ids, axis=0)
    ie = jnp.take(item_table, item_ids, axis=0)
    x = jnp.concatenate([ue, ie], axis=1)
    eps = 1e-5
    for W, b, g, bt in ((W0, b0, gamma0, beta0), (W1, b1, gamma1, beta1), (W2, b2, gamma2, beta2)):
        x = x @ W + b
        x = jax.nn.relu(x)
        # Dropout: identity (eval mode)
        # BatchNorm1d eval mode: running_mean=0, running_var=1
        x = g * (x / jnp.sqrt(1.0 + eps)) + bt
    out = jax.nn.sigmoid(x @ Wo + bo)
    return out.squeeze()

if __name__ == "__main__":
    import jax
    _d = setup_inputs()
    print(jax.jit(kernel)(*tuple(_d.values())))

</pallas_src>

<mosaic_0001>
#map = affine_map<(d0, d1) -> (0, 0)>
module attributes {stable_mosaic.version = 14 : i64} {
  func.func @k(%arg0: i32, %arg1: i32, %arg2: memref<250000x128xi32, #tpu.memory_space<hbm>>, %arg3: memref<250000x128xi32, #tpu.memory_space<hbm>>, %arg4: memref<128x128xi32, #tpu.memory_space<hbm>>, %arg5: memref<128x128xi32, #tpu.memory_space<hbm>>, %arg6: memref<16384x128xi32, #tpu.memory_space<hbm>>, %arg7: memref<16384x128xi32, #tpu.memory_space<hbm>>, %arg8: memref<2x128xi32, #tpu.memory_space<vmem>>, %arg9: memref<2x128x128xi32, #tpu.memory_space<vmem>>, %arg10: memref<!tpu.dma_semaphore, #tpu.memory_space<semaphore_mem>>, %arg11: memref<!tpu.dma_semaphore, #tpu.memory_space<semaphore_mem>>) attributes {dimension_semantics = [#tpu.dimension_semantics<core_parallel>, #tpu.dimension_semantics<subcore_parallel>], iteration_bounds = array<i64: 2, 16>, scalar_prefetch = 0 : i64, scratch_operands = 4 : i64, tpu.core_type = #tpu.core_type<sc_vector_subcore>, window_params = [{transform_indices = #map}, {transform_indices = #map}, {transform_indices = #map}, {transform_indices = #map}, {transform_indices = #map}, {transform_indices = #map}]} {
    %mul3A = arith.constant 2 : i32
    %mul3A_0 = arith.muli %arg1, %mul3A : i32
    %add3A = arith.addi %mul3A_0, %arg0 : i32
    %mul3A_1 = arith.constant 4 : i32
    %mul3A_2 = arith.muli %add3A, %mul3A_1 : i32
    %add3A_3 = arith.constant 0 : i32
    %add3A_4 = arith.addi %mul3A_2, %add3A_3 : i32
    %run_scoped3A = arith.constant 0 : i32
    "tpu.region"() ({
      %run_scoped3A_286 = tpu.sem_alloc : memref<!tpu.dma_semaphore, #tpu.memory_space<semaphore_mem>>
      %dma_start3A_287 = arith.constant 0 : i32
      %dma_start3A_288 = tpu.memref_slice %arg8[%run_scoped3A, %dma_start3A_287] : memref<2x128xi32, #tpu.memory_space<vmem>> -> memref<1x128xi32, #tpu.memory_space<vmem>>
      %dma_start3A_289 = tpu.memref_squeeze %dma_start3A_288 : memref<1x128xi32, #tpu.memory_space<vmem>> -> memref<128xi32, #tpu.memory_space<vmem>>
      %dma_start3A_290 = arith.constant 0 : i32
      %dma_start3A_291 = tpu.memref_slice %arg4[%add3A_4, %dma_start3A_290] : memref<128x128xi32, #tpu.memory_space<hbm>> -> memref<1x128xi32, #tpu.memory_space<hbm>>
      %dma_start3A_292 = tpu.memref_squeeze %dma_start3A_291 : memref<1x128xi32, #tpu.memory_space<hbm>> -> memref<128xi32, #tpu.memory_space<hbm>>
      %dma_start3A_293 = arith.constant 0 : i32
      %dma_start3A_294 = tpu.memref_slice %arg8[%run_scoped3A, %dma_start3A_293] : memref<2x128xi32, #tpu.memory_space<vmem>> -> memref<1x128xi32, #tpu.memory_space<vmem>>
      %dma_start3A_295 = tpu.memref_squeeze %dma_start3A_294 : memref<1x128xi32, #tpu.memory_space<vmem>> -> memref<128xi32, #tpu.memory_space<vmem>>
      %dma_start3A_296 = arith.constant 0 : i32
      %dma_start3A_297 = tpu.memref_slice %arg4[%add3A_4, %dma_start3A_296] : memref<128x128xi32, #tpu.memory_space<hbm>> -> memref<1x128xi32, #tpu.memory_space<hbm>>
      %dma_start3A_298 = tpu.memref_squeeze %dma_start3A_297 : memref<1x128xi32, #tpu.memory_space<hbm>> -> memref<128xi32, #tpu.memory_space<hbm>>
      tpu.enqueue_dma source(%dma_start3A_298 : memref<128xi32, #tpu.memory_space<hbm>>) target(%dma_start3A_295 : memref<128xi32, #tpu.memory_space<vmem>>) target_semaphore(%run_scoped3A_286 : memref<!tpu.dma_semaphore, #tpu.memory_space<semaphore_mem>>)
      %dma_wait3A_299 = arith.constant 0 : i32
      %dma_wait3A_300 = tpu.memref_slice %arg8[%run_scoped3A, %dma_wait3A_299] : memref<2x128xi32, #tpu.memory_space<vmem>> -> memref<1x128xi32, #tpu.memory_space<vmem>>
      %dma_wait3A_301 = tpu.memref_squeeze %dma_wait3A_300 : memref<1x128xi32, #tpu.memory_space<vmem>> -> memref<128xi32, #tpu.memory_space<vmem>>
      %dma_wait3A_302 = arith.constant 0 : i32
      %dma_wait3A_303 = tpu.memref_slice %arg4[%add3A_4, %dma_wait3A_302] : memref<128x128xi32, #tpu.memory_space<hbm>> -> memref<1x128xi32, #tpu.memory_space<hbm>>
      %dma_wait3A_304 = tpu.memref_squeeze %dma_wait3A_303 : memref<1x128xi32, #tpu.memory_space<hbm>> -> memref<128xi32, #tpu.memory_space<hbm>>
      %dma_wait3A_305 = arith.constant 0 : i32
      %dma_wait3A_306 = tpu.memref_slice %arg8[%run_scoped3A, %dma_wait3A_305] : memref<2x128xi32, #tpu.memory_space<vmem>> -> memref<1x128xi32, #tpu.memory_space<vmem>>
      %dma_wait3A_307 = tpu.memref_squeeze %dma_wait3A_306 : memref<1x128xi32, #tpu.memory_space<vmem>> -> memref<128xi32, #tpu.memory_space<vmem>>
      %dma_wait3A_308 = arith.constant 0 : i32
      %dma_wait3A_309 = tpu.memref_slice %arg4[%add3A_4, %dma_wait3A_308] : memref<128x128xi32, #tpu.memory_space<hbm>> -> memref<1x128xi32, #tpu.memory_space<hbm>>
      %dma_wait3A_310 = tpu.memref_squeeze %dma_wait3A_309 : memref<1x128xi32, #tpu.memory_space<hbm>> -> memref<128xi32, #tpu.memory_space<hbm>>
      tpu.wait_dma2 semaphore(%run_scoped3A_286 : memref<!tpu.dma_semaphore, #tpu.memory_space<semaphore_mem>>) src(%dma_wait3A_310 : memref<128xi32, #tpu.memory_space<hbm>>) dst(%dma_wait3A_307 : memref<128xi32, #tpu.memory_space<vmem>>)
      tpu.yield
    }) : () -> ()
    %dma_start3A = arith.constant 0 : i32
    %dma_start3A_5 = arith.constant 0 : i32
    %dma_start3A_6 = arith.constant 0 : i32
    %dma_start3A_7 = arith.constant 0 : i32
    %dma_start3A_8 = tpu.memref_slice %arg9[%dma_start3A_5, %dma_start3A_6, %dma_start3A_7] : memref<2x128x128xi32, #tpu.memory_space<vmem>> -> memref<1x128x128xi32, #tpu.memory_space<vmem>>
    %dma_start3A_9 = tpu.memref_squeeze %dma_start3A_8 : memref<1x128x128xi32, #tpu.memory_space<vmem>> -> memref<128x128xi32, #tpu.memory_space<vmem>>
    %dma_start3A_10 = arith.constant 0 : i32
    %dma_start3A_11 = tpu.memref_slice %arg8[%dma_start3A, %dma_start3A_10] : memref<2x128xi32, #tpu.memory_space<vmem>> -> memref<1x128xi32, #tpu.memory_space<vmem>>
    %dma_start3A_12 = tpu.memref_squeeze %dma_start3A_11 : memref<1x128xi32, #tpu.memory_space<vmem>> -> memref<128xi32, #tpu.memory_space<vmem>>
    %dma_start3A_13 = arith.constant 0 : i32
    %dma_start3A_14 = arith.constant 0 : i32
    %dma_start3A_15 = tpu.memref_slice %arg2[%dma_start3A_13, %dma_start3A_14] : memref<250000x128xi32, #tpu.memory_space<hbm>> -> memref<250000x128xi32, #tpu.memory_space<hbm>>
    tpu.enqueue_indirect_dma source(%dma_start3A_15 : memref<250000x128xi32, #tpu.memory_space<hbm>>) target(%dma_start3A_9 : memref<128x128xi32, #tpu.memory_space<vmem>>) offsets(%dma_start3A_12 : memref<128xi32, #tpu.memory_space<vmem>>) semaphore(%arg10 : memref<!tpu.dma_semaphore, #tpu.memory_space<semaphore_mem>>)
    %mul3A_16 = arith.constant 4 : i32
    %mul3A_17 = arith.muli %add3A, %mul3A_16 : i32
    %add3A_18 = arith.constant 1 : i32
    %add3A_19 = arith.addi %mul3A_17, %add3A_18 : i32
    %run_scoped3A_20 = arith.constant 1 : i32
    "tpu.region"() ({
      %run_scoped3A_286 = tpu.sem_alloc : memref<!tpu.dma_semaphore, #tpu.memory_space<semaphore_mem>>
      %dma_start3A_287 = arith.constant 0 : i32
      %dma_start3A_288 = tpu.memref_slice %arg8[%run_scoped3A_20, %dma_start3A_287] : memref<2x128xi32, #tpu.memory_space<vmem>> -> memref<1x128xi32, #tpu.memory_space<vmem>>
      %dma_start3A_289 = tpu.memref_squeeze %dma_start3A_288 : memref<1x128xi32, #tpu.memory_space<vmem>> -> memref<128xi32, #tpu.memory_space<vmem>>
      %dma_start3A_290 = arith.constant 0 : i32
      %dma_start3A_291 = tpu.memref_slice %arg4[%add3A_19, %dma_start3A_290] : memref<128x128xi32, #tpu.memory_space<hbm>> -> memref<1x128xi32, #tpu.memory_space<hbm>>
      %dma_start3A_292 = tpu.memref_squeeze %dma_start3A_291 : memref<1x128xi32, #tpu.memory_space<hbm>> -> memref<128xi32, #tpu.memory_space<hbm>>
      %dma_start3A_293 = arith.constant 0 : i32
      %dma_start3A_294 = tpu.memref_slice %arg8[%run_scoped3A_20, %dma_start3A_293] : memref<2x128xi32, #tpu.memory_space<vmem>> -> memref<1x128xi32, #tpu.memory_space<vmem>>
      %dma_start3A_295 = tpu.memref_squeeze %dma_start3A_294 : memref<1x128xi32, #tpu.memory_space<vmem>> -> memref<128xi32, #tpu.memory_space<vmem>>
      %dma_start3A_296 = arith.constant 0 : i32
      %dma_start3A_297 = tpu.memref_slice %arg4[%add3A_19, %dma_start3A_296] : memref<128x128xi32, #tpu.memory_space<hbm>> -> memref<1x128xi32, #tpu.memory_space<hbm>>
      %dma_start3A_298 = tpu.memref_squeeze %dma_start3A_297 : memref<1x128xi32, #tpu.memory_space<hbm>> -> memref<128xi32, #tpu.memory_space<hbm>>
      tpu.enqueue_dma source(%dma_start3A_298 : memref<128xi32, #tpu.memory_space<hbm>>) target(%dma_start3A_295 : memref<128xi32, #tpu.memory_space<vmem>>) target_semaphore(%run_scoped3A_286 : memref<!tpu.dma_semaphore, #tpu.memory_space<semaphore_mem>>)
      %dma_wait3A_299 = arith.constant 0 : i32
      %dma_wait3A_300 = tpu.memref_slice %arg8[%run_scoped3A_20, %dma_wait3A_299] : memref<2x128xi32, #tpu.memory_space<vmem>> -> memref<1x128xi32, #tpu.memory_space<vmem>>
      %dma_wait3A_301 = tpu.memref_squeeze %dma_wait3A_300 : memref<1x128xi32, #tpu.memory_space<vmem>> -> memref<128xi32, #tpu.memory_space<vmem>>
      %dma_wait3A_302 = arith.constant 0 : i32
      %dma_wait3A_303 = tpu.memref_slice %arg4[%add3A_19, %dma_wait3A_302] : memref<128x128xi32, #tpu.memory_space<hbm>> -> memref<1x128xi32, #tpu.memory_space<hbm>>
      %dma_wait3A_304 = tpu.memref_squeeze %dma_wait3A_303 : memref<1x128xi32, #tpu.memory_space<hbm>> -> memref<128xi32, #tpu.memory_space<hbm>>
      %dma_wait3A_305 = arith.constant 0 : i32
      %dma_wait3A_306 = tpu.memref_slice %arg8[%run_scoped3A_20, %dma_wait3A_305] : memref<2x128xi32, #tpu.memory_space<vmem>> -> memref<1x128xi32, #tpu.memory_space<vmem>>
      %dma_wait3A_307 = tpu.memref_squeeze %dma_wait3A_306 : memref<1x128xi32, #tpu.memory_space<vmem>> -> memref<128xi32, #tpu.memory_space<vmem>>
      %dma_wait3A_308 = arith.constant 0 : i32
      %dma_wait3A_309 = tpu.memref_slice %arg4[%add3A_19, %dma_wait3A_308] : memref<128x128xi32, #tpu.memory_space<hbm>> -> memref<1x128xi32, #tpu.memory_space<hbm>>
      %dma_wait3A_310 = tpu.memref_squeeze %dma_wait3A_309 : memref<1x128xi32, #tpu.memory_space<hbm>> -> memref<128xi32, #tpu.memory_space<hbm>>
      tpu.wait_dma2 semaphore(%run_scoped3A_286 : memref<!tpu.dma_semaphore, #tpu.memory_space<semaphore_mem>>) src(%dma_wait3A_310 : memref<128xi32, #tpu.memory_space<hbm>>) dst(%dma_wait3A_307 : memref<128xi32, #tpu.memory_space<vmem>>)
      tpu.yield
    }) : () -> ()
    %dma_start3A_21 = arith.constant 1 : i32
    %dma_start3A_22 = arith.constant 1 : i32
    %dma_start3A_23 = arith.constant 0 : i32
    %dma_start3A_24 = arith.constant 0 : i32
    %dma_start3A_25 = tpu.memref_slice %arg9[%dma_start3A_22, %dma_start3A_23, %dma_start3A_24] : memref<2x128x128xi32, #tpu.memory_space<vmem>> -> memref<1x128x128xi32, #tpu.memory_space<vmem>>
    %dma_start3A_26 = tpu.memref_squeeze %dma_start3A_25 : memref<1x128x128xi32, #tpu.memory_space<vmem>> -> memref<128x128xi32, #tpu.memory_space<vmem>>
    %dma_start3A_27 = arith.constant 0 : i32
    %dma_start3A_28 = tpu.memref_slice %arg8[%dma_start3A_21, %dma_start3A_27] : memref<2x128xi32, #tpu.memory_space<vmem>> -> memref<1x128xi32, #tpu.memory_space<vmem>>
    %dma_start3A_29 = tpu.memref_squeeze %dma_start3A_28 : memref<1x128xi32, #tpu.memory_space<vmem>> -> memref<128xi32, #tpu.memory_space<vmem>>
    %dma_start3A_30 = arith.constant 0 : i32
    %dma_start3A_31 = arith.constant 0 : i32
    %dma_start3A_32 = tpu.memref_slice %arg2[%dma_start3A_30, %dma_start3A_31] : memref<250000x128xi32, #tpu.memory_space<hbm>> -> memref<250000x128xi32, #tpu.memory_space<hbm>>
    tpu.enqueue_indirect_dma source(%dma_start3A_32 : memref<250000x128xi32, #tpu.memory_space<hbm>>) target(%dma_start3A_26 : memref<128x128xi32, #tpu.memory_space<vmem>>) offsets(%dma_start3A_29 : memref<128xi32, #tpu.memory_space<vmem>>) semaphore(%arg11 : memref<!tpu.dma_semaphore, #tpu.memory_space<semaphore_mem>>)
    %mul3A_33 = arith.constant 4 : i32
    %mul3A_34 = arith.muli %add3A, %mul3A_33 : i32
    %add3A_35 = arith.constant 0 : i32
    %add3A_36 = arith.addi %mul3A_34, %add3A_35 : i32
    %dma_wait3A = arith.constant 0 : i32
    %dma_wait3A_37 = arith.constant 0 : i32
    %dma_wait3A_38 = arith.constant 0 : i32
    %dma_wait3A_39 = arith.constant 0 : i32
    %dma_wait3A_40 = tpu.memref_slice %arg9[%dma_wait3A_37, %dma_wait3A_38, %dma_wait3A_39] : memref<2x128x128xi32, #tpu.memory_space<vmem>> -> memref<1x128x128xi32, #tpu.memory_space<vmem>>
    %dma_wait3A_41 = tpu.memref_squeeze %dma_wait3A_40 : memref<1x128x128xi32, #tpu.memory_space<vmem>> -> memref<128x128xi32, #tpu.memory_space<vmem>>
    %dma_wait3A_42 = arith.constant 0 : i32
    %dma_wait3A_43 = tpu.memref_slice %arg8[%dma_wait3A, %dma_wait3A_42] : memref<2x128xi32, #tpu.memory_space<vmem>> -> memref<1x128xi32, #tpu.memory_space<vmem>>
    %dma_wait3A_44 = tpu.memref_squeeze %dma_wait3A_43 : memref<1x128xi32, #tpu.memory_space<vmem>> -> memref<128xi32, #tpu.memory_space<vmem>>
    %dma_wait3A_45 = arith.constant 0 : i32
    %dma_wait3A_46 = arith.constant 0 : i32
    %dma_wait3A_47 = tpu.memref_slice %arg2[%dma_wait3A_45, %dma_wait3A_46] : memref<250000x128xi32, #tpu.memory_space<hbm>> -> memref<250000x128xi32, #tpu.memory_space<hbm>>
    tpu.wait_indirect_dma semaphore(%arg10 : memref<!tpu.dma_semaphore, #tpu.memory_space<semaphore_mem>>) src(%dma_wait3A_47 : memref<250000x128xi32, #tpu.memory_space<hbm>>) dst(%dma_wait3A_41 : memref<128x128xi32, #tpu.memory_space<vmem>>)
    %mul3A_48 = arith.constant 128 : i32
    %mul3A_49 = arith.muli %add3A_36, %mul3A_48 : i32
    %run_scoped3A_50 = arith.constant 0 : i32
    "tpu.region"() ({
      %run_scoped3A_286 = tpu.sem_alloc : memref<!tpu.dma_semaphore, #tpu.memory_space<semaphore_mem>>
      %dma_start3A_287 = arith.constant 0 : i32
      %dma_start3A_288 = arith.constant 0 : i32
      %dma_start3A_289 = tpu.memref_slice %arg9[%run_scoped3A_50, %dma_start3A_287, %dma_start3A_288] : memref<2x128x128xi32, #tpu.memory_space<vmem>> -> memref<1x128x128xi32, #tpu.memory_space<vmem>>
      %dma_start3A_290 = tpu.memref_squeeze %dma_start3A_289 : memref<1x128x128xi32, #tpu.memory_space<vmem>> -> memref<128x128xi32, #tpu.memory_space<vmem>>
      %dma_start3A_291 = arith.constant 0 : i32
      %dma_start3A_292 = tpu.memref_slice %arg6[%mul3A_49, %dma_start3A_291] : memref<16384x128xi32, #tpu.memory_space<hbm>> -> memref<128x128xi32, #tpu.memory_space<hbm>>
      %dma_start3A_293 = arith.constant 0 : i32
      %dma_start3A_294 = tpu.memref_slice %arg6[%mul3A_49, %dma_start3A_293] : memref<16384x128xi32, #tpu.memory_space<hbm>> -> memref<128x128xi32, #tpu.memory_space<hbm>>
      %dma_start3A_295 = arith.constant 0 : i32
      %dma_start3A_296 = arith.constant 0 : i32
      %dma_start3A_297 = tpu.memref_slice %arg9[%run_scoped3A_50, %dma_start3A_295, %dma_start3A_296] : memref<2x128x128xi32, #tpu.memory_space<vmem>> -> memref<1x128x128xi32, #tpu.memory_space<vmem>>
      %dma_start3A_298 = tpu.memref_squeeze %dma_start3A_297 : memref<1x128x128xi32, #tpu.memory_space<vmem>> -> memref<128x128xi32, #tpu.memory_space<vmem>>
      tpu.enqueue_dma source(%dma_start3A_298 : memref<128x128xi32, #tpu.memory_space<vmem>>) target(%dma_start3A_294 : memref<128x128xi32, #tpu.memory_space<hbm>>) target_semaphore(%run_scoped3A_286 : memref<!tpu.dma_semaphore, #tpu.memory_space<semaphore_mem>>)
      %dma_wait3A_299 = arith.constant 0 : i32
      %dma_wait3A_300 = arith.constant 0 : i32
      %dma_wait3A_301 = tpu.memref_slice %arg9[%run_scoped3A_50, %dma_wait3A_299, %dma_wait3A_300] : memref<2x128x128xi32, #tpu.memory_space<vmem>> -> memref<1x128x128xi32, #tpu.memory_space<vmem>>
      %dma_wait3A_302 = tpu.memref_squeeze %dma_wait3A_301 : memref<1x128x128xi32, #tpu.memory_space<vmem>> -> memref<128x128xi32, #tpu.memory_space<vmem>>
      %dma_wait3A_303 = arith.constant 0 : i32
      %dma_wait3A_304 = tpu.memref_slice %arg6[%mul3A_49, %dma_wait3A_303] : memref<16384x128xi32, #tpu.memory_space<hbm>> -> memref<128x128xi32, #tpu.memory_space<hbm>>
      %dma_wait3A_305 = arith.constant 0 : i32
      %dma_wait3A_306 = tpu.memref_slice %arg6[%mul3A_49, %dma_wait3A_305] : memref<16384x128xi32, #tpu.memory_space<hbm>> -> memref<128x128xi32, #tpu.memory_space<hbm>>
      %dma_wait3A_307 = arith.constant 0 : i32
      %dma_wait3A_308 = arith.constant 0 : i32
      %dma_wait3A_309 = tpu.memref_slice %arg9[%run_scoped3A_50, %dma_wait3A_307, %dma_wait3A_308] : memref<2x128x128xi32, #tpu.memory_space<vmem>> -> memref<1x128x128xi32, #tpu.memory_space<vmem>>
      %dma_wait3A_310 = tpu.memref_squeeze %dma_wait3A_309 : memref<1x128x128xi32, #tpu.memory_space<vmem>> -> memref<128x128xi32, #tpu.memory_space<vmem>>
      tpu.wait_dma2 semaphore(%run_scoped3A_286 : memref<!tpu.dma_semaphore, #tpu.memory_space<semaphore_mem>>) src(%dma_wait3A_310 : memref<128x128xi32, #tpu.memory_space<vmem>>) dst(%dma_wait3A_306 : memref<128x128xi32, #tpu.memory_space<hbm>>)
      tpu.yield
    }) : () -> ()
    %mul3A_51 = arith.constant 4 : i32
    %mul3A_52 = arith.muli %add3A, %mul3A_51 : i32
    %add3A_53 = arith.constant 2 : i32
    %add3A_54 = arith.addi %mul3A_52, %add3A_53 : i32
    %run_scoped3A_55 = arith.constant 0 : i32
    "tpu.region"() ({
      %run_scoped3A_286 = tpu.sem_alloc : memref<!tpu.dma_semaphore, #tpu.memory_space<semaphore_mem>>
      %dma_start3A_287 = arith.constant 0 : i32
      %dma_start3A_288 = tpu.memref_slice %arg8[%run_scoped3A_55, %dma_start3A_287] : memref<2x128xi32, #tpu.memory_space<vmem>> -> memref<1x128xi32, #tpu.memory_space<vmem>>
      %dma_start3A_289 = tpu.memref_squeeze %dma_start3A_288 : memref<1x128xi32, #tpu.memory_space<vmem>> -> memref<128xi32, #tpu.memory_space<vmem>>
      %dma_start3A_290 = arith.constant 0 : i32
      %dma_start3A_291 = tpu.memref_slice %arg4[%add3A_54, %dma_start3A_290] : memref<128x128xi32, #tpu.memory_space<hbm>> -> memref<1x128xi32, #tpu.memory_space<hbm>>
      %dma_start3A_292 = tpu.memref_squeeze %dma_start3A_291 : memref<1x128xi32, #tpu.memory_space<hbm>> -> memref<128xi32, #tpu.memory_space<hbm>>
      %dma_start3A_293 = arith.constant 0 : i32
      %dma_start3A_294 = tpu.memref_slice %arg8[%run_scoped3A_55, %dma_start3A_293] : memref<2x128xi32, #tpu.memory_space<vmem>> -> memref<1x128xi32, #tpu.memory_space<vmem>>
      %dma_start3A_295 = tpu.memref_squeeze %dma_start3A_294 : memref<1x128xi32, #tpu.memory_space<vmem>> -> memref<128xi32, #tpu.memory_space<vmem>>
      %dma_start3A_296 = arith.constant 0 : i32
      %dma_start3A_297 = tpu.memref_slice %arg4[%add3A_54, %dma_start3A_296] : memref<128x128xi32, #tpu.memory_space<hbm>> -> memref<1x128xi32, #tpu.memory_space<hbm>>
      %dma_start3A_298 = tpu.memref_squeeze %dma_start3A_297 : memref<1x128xi32, #tpu.memory_space<hbm>> -> memref<128xi32, #tpu.memory_space<hbm>>
      tpu.enqueue_dma source(%dma_start3A_298 : memref<128xi32, #tpu.memory_space<hbm>>) target(%dma_start3A_295 : memref<128xi32, #tpu.memory_space<vmem>>) target_semaphore(%run_scoped3A_286 : memref<!tpu.dma_semaphore, #tpu.memory_space<semaphore_mem>>)
      %dma_wait3A_299 = arith.constant 0 : i32
      %dma_wait3A_300 = tpu.memref_slice %arg8[%run_scoped3A_55, %dma_wait3A_299] : memref<2x128xi32, #tpu.memory_space<vmem>> -> memref<1x128xi32, #tpu.memory_space<vmem>>
      %dma_wait3A_301 = tpu.memref_squeeze %dma_wait3A_300 : memref<1x128xi32, #tpu.memory_space<vmem>> -> memref<128xi32, #tpu.memory_space<vmem>>
      %dma_wait3A_302 = arith.constant 0 : i32
      %dma_wait3A_303 = tpu.memref_slice %arg4[%add3A_54, %dma_wait3A_302] : memref<128x128xi32, #tpu.memory_space<hbm>> -> memref<1x128xi32, #tpu.memory_space<hbm>>
      %dma_wait3A_304 = tpu.memref_squeeze %dma_wait3A_303 : memref<1x128xi32, #tpu.memory_space<hbm>> -> memref<128xi32, #tpu.memory_space<hbm>>
      %dma_wait3A_305 = arith.constant 0 : i32
      %dma_wait3A_306 = tpu.memref_slice %arg8[%run_scoped3A_55, %dma_wait3A_305] : memref<2x128xi32, #tpu.memory_space<vmem>> -> memref<1x128xi32, #tpu.memory_space<vmem>>
      %dma_wait3A_307 = tpu.memref_squeeze %dma_wait3A_306 : memref<1x128xi32, #tpu.memory_space<vmem>> -> memref<128xi32, #tpu.memory_space<vmem>>
      %dma_wait3A_308 = arith.constant 0 : i32
      %dma_wait3A_309 = tpu.memref_slice %arg4[%add3A_54, %dma_wait3A_308] : memref<128x128xi32, #tpu.memory_space<hbm>> -> memref<1x128xi32, #tpu.memory_space<hbm>>
      %dma_wait3A_310 = tpu.memref_squeeze %dma_wait3A_309 : memref<1x128xi32, #tpu.memory_space<hbm>> -> memref<128xi32, #tpu.memory_space<hbm>>
      tpu.wait_dma2 semaphore(%run_scoped3A_286 : memref<!tpu.dma_semaphore, #tpu.memory_space<semaphore_mem>>) src(%dma_wait3A_310 : memref<128xi32, #tpu.memory_space<hbm>>) dst(%dma_wait3A_307 : memref<128xi32, #tpu.memory_space<vmem>>)
      tpu.yield
    }) : () -> ()
    %dma_start3A_56 = arith.constant 0 : i32
    %dma_start3A_57 = arith.constant 0 : i32
    %dma_start3A_58 = arith.constant 0 : i32
    %dma_start3A_59 = arith.constant 0 : i32
    %dma_start3A_60 = tpu.memref_slice %arg9[%dma_start3A_57, %dma_start3A_58, %dma_start3A_59] : memref<2x128x128xi32, #tpu.memory_space<vmem>> -> memref<1x128x128xi32, #tpu.memory_space<vmem>>
    %dma_start3A_61 = tpu.memref_squeeze %dma_start3A_60 : memref<1x128x128xi32, #tpu.memory_space<vmem>> -> memref<128x128xi32, #tpu.memory_space<vmem>>
    %dma_start3A_62 = arith.constant 0 : i32
    %dma_start3A_63 = tpu.memref_slice %arg8[%dma_start3A_56, %dma_start3A_62] : memref<2x128xi32, #tpu.memory_space<vmem>> -> memref<1x128xi32, #tpu.memory_space<vmem>>
    %dma_start3A_64 = tpu.memref_squeeze %dma_start3A_63 : memref<1x128xi32, #tpu.memory_space<vmem>> -> memref<128xi32, #tpu.memory_space<vmem>>
    %dma_start3A_65 = arith.constant 0 : i32
    %dma_start3A_66 = arith.constant 0 : i32
    %dma_start3A_67 = tpu.memref_slice %arg2[%dma_start3A_65, %dma_start3A_66] : memref<250000x128xi32, #tpu.memory_space<hbm>> -> memref<250000x128xi32, #tpu.memory_space<hbm>>
    tpu.enqueue_indirect_dma source(%dma_start3A_67 : memref<250000x128xi32, #tpu.memory_space<hbm>>) target(%dma_start3A_61 : memref<128x128xi32, #tpu.memory_space<vmem>>) offsets(%dma_start3A_64 : memref<128xi32, #tpu.memory_space<vmem>>) semaphore(%arg10 : memref<!tpu.dma_semaphore, #tpu.memory_space<semaphore_mem>>)
    %mul3A_68 = arith.constant 4 : i32
    %mul3A_69 = arith.muli %add3A, %mul3A_68 : i32
    %add3A_70 = arith.constant 1 : i32
    %add3A_71 = arith.addi %mul3A_69, %add3A_70 : i32
    %dma_wait3A_72 = arith.constant 1 : i32
    %dma_wait3A_73 = arith.constant 1 : i32
    %dma_wait3A_74 = arith.constant 0 : i32
    %dma_wait3A_75 = arith.constant 0 : i32
    %dma_wait3A_76 = tpu.memref_slice %arg9[%dma_wait3A_73, %dma_wait3A_74, %dma_wait3A_75] : memref<2x128x128xi32, #tpu.memory_space<vmem>> -> memref<1x128x128xi32, #tpu.memory_space<vmem>>
    %dma_wait3A_77 = tpu.memref_squeeze %dma_wait3A_76 : memref<1x128x128xi32, #tpu.memory_space<vmem>> -> memref<128x128xi32, #tpu.memory_space<vmem>>
    %dma_wait3A_78 = arith.constant 0 : i32
    %dma_wait3A_79 = tpu.memref_slice %arg8[%dma_wait3A_72, %dma_wait3A_78] : memref<2x128xi32, #tpu.memory_space<vmem>> -> memref<1x128xi32, #tpu.memory_space<vmem>>
    %dma_wait3A_80 = tpu.memref_squeeze %dma_wait3A_79 : memref<1x128xi32, #tpu.memory_space<vmem>> -> memref<128xi32, #tpu.memory_space<vmem>>
    %dma_wait3A_81 = arith.constant 0 : i32
    %dma_wait3A_82 = arith.constant 0 : i32
    %dma_wait3A_83 = tpu.memref_slice %arg2[%dma_wait3A_81, %dma_wait3A_82] : memref<250000x128xi32, #tpu.memory_space<hbm>> -> memref<250000x128xi32, #tpu.memory_space<hbm>>
    tpu.wait_indirect_dma semaphore(%arg11 : memref<!tpu.dma_semaphore, #tpu.memory_space<semaphore_mem>>) src(%dma_wait3A_83 : memref<250000x128xi32, #tpu.memory_space<hbm>>) dst(%dma_wait3A_77 : memref<128x128xi32, #tpu.memory_space<vmem>>)
    %mul3A_84 = arith.constant 128 : i32
    %mul3A_85 = arith.muli %add3A_71, %mul3A_84 : i32
    %run_scoped3A_86 = arith.constant 1 : i32
    "tpu.region"() ({
      %run_scoped3A_286 = tpu.sem_alloc : memref<!tpu.dma_semaphore, #tpu.memory_space<semaphore_mem>>
      %dma_start3A_287 = arith.constant 0 : i32
      %dma_start3A_288 = arith.constant 0 : i32
      %dma_start3A_289 = tpu.memref_slice %arg9[%run_scoped3A_86, %dma_start3A_287, %dma_start3A_288] : memref<2x128x128xi32, #tpu.memory_space<vmem>> -> memref<1x128x128xi32, #tpu.memory_space<vmem>>
      %dma_start3A_290 = tpu.memref_squeeze %dma_start3A_289 : memref<1x128x128xi32, #tpu.memory_space<vmem>> -> memref<128x128xi32, #tpu.memory_space<vmem>>
      %dma_start3A_291 = arith.constant 0 : i32
      %dma_start3A_292 = tpu.memref_slice %arg6[%mul3A_85, %dma_start3A_291] : memref<16384x128xi32, #tpu.memory_space<hbm>> -> memref<128x128xi32, #tpu.memory_space<hbm>>
      %dma_start3A_293 = arith.constant 0 : i32
      %dma_start3A_294 = tpu.memref_slice %arg6[%mul3A_85, %dma_start3A_293] : memref<16384x128xi32, #tpu.memory_space<hbm>> -> memref<128x128xi32, #tpu.memory_space<hbm>>
      %dma_start3A_295 = arith.constant 0 : i32
      %dma_start3A_296 = arith.constant 0 : i32
      %dma_start3A_297 = tpu.memref_slice %arg9[%run_scoped3A_86, %dma_start3A_295, %dma_start3A_296] : memref<2x128x128xi32, #tpu.memory_space<vmem>> -> memref<1x128x128xi32, #tpu.memory_space<vmem>>
      %dma_start3A_298 = tpu.memref_squeeze %dma_start3A_297 : memref<1x128x128xi32, #tpu.memory_space<vmem>> -> memref<128x128xi32, #tpu.memory_space<vmem>>
      tpu.enqueue_dma source(%dma_start3A_298 : memref<128x128xi32, #tpu.memory_space<vmem>>) target(%dma_start3A_294 : memref<128x128xi32, #tpu.memory_space<hbm>>) target_semaphore(%run_scoped3A_286 : memref<!tpu.dma_semaphore, #tpu.memory_space<semaphore_mem>>)
      %dma_wait3A_299 = arith.constant 0 : i32
      %dma_wait3A_300 = arith.constant 0 : i32
      %dma_wait3A_301 = tpu.memref_slice %arg9[%run_scoped3A_86, %dma_wait3A_299, %dma_wait3A_300] : memref<2x128x128xi32, #tpu.memory_space<vmem>> -> memref<1x128x128xi32, #tpu.memory_space<vmem>>
      %dma_wait3A_302 = tpu.memref_squeeze %dma_wait3A_301 : memref<1x128x128xi32, #tpu.memory_space<vmem>> -> memref<128x128xi32, #tpu.memory_space<vmem>>
      %dma_wait3A_303 = arith.constant 0 : i32
      %dma_wait3A_304 = tpu.memref_slice %arg6[%mul3A_85, %dma_wait3A_303] : memref<16384x128xi32, #tpu.memory_space<hbm>> -> memref<128x128xi32, #tpu.memory_space<hbm>>
      %dma_wait3A_305 = arith.constant 0 : i32
      %dma_wait3A_306 = tpu.memref_slice %arg6[%mul3A_85, %dma_wait3A_305] : memref<16384x128xi32, #tpu.memory_space<hbm>> -> memref<128x128xi32, #tpu.memory_space<hbm>>
      %dma_wait3A_307 = arith.constant 0 : i32
      %dma_wait3A_308 = arith.constant 0 : i32
      %dma_wait3A_309 = tpu.memref_slice %arg9[%run_scoped3A_86, %dma_wait3A_307, %dma_wait3A_308] : memref<2x128x128xi32, #tpu.memory_space<vmem>> -> memref<1x128x128xi32, #tpu.memory_space<vmem>>
      %dma_wait3A_310 = tpu.memref_squeeze %dma_wait3A_309 : memref<1x128x128xi32, #tpu.memory_space<vmem>> -> memref<128x128xi32, #tpu.memory_space<vmem>>
      tpu.wait_dma2 semaphore(%run_scoped3A_286 : memref<!tpu.dma_semaphore, #tpu.memory_space<semaphore_mem>>) src(%dma_wait3A_310 : memref<128x128xi32, #tpu.memory_space<vmem>>) dst(%dma_wait3A_306 : memref<128x128xi32, #tpu.memory_space<hbm>>)
      tpu.yield
    }) : () -> ()
    %mul3A_87 = arith.constant 4 : i32
    %mul3A_88 = arith.muli %add3A, %mul3A_87 : i32
    %add3A_89 = arith.constant 3 : i32
    %add3A_90 = arith.addi %mul3A_88, %add3A_89 : i32
    %run_scoped3A_91 = arith.constant 1 : i32
    "tpu.region"() ({
      %run_scoped3A_286 = tpu.sem_alloc : memref<!tpu.dma_semaphore, #tpu.memory_space<semaphore_mem>>
      %dma_start3A_287 = arith.constant 0 : i32
      %dma_start3A_288 = tpu.memref_slice %arg8[%run_scoped3A_91, %dma_start3A_287] : memref<2x128xi32, #tpu.memory_space<vmem>> -> memref<1x128xi32, #tpu.memory_space<vmem>>
      %dma_start3A_289 = tpu.memref_squeeze %dma_start3A_288 : memref<1x128xi32, #tpu.memory_space<vmem>> -> memref<128xi32, #tpu.memory_space<vmem>>
      %dma_start3A_290 = arith.constant 0 : i32
      %dma_start3A_291 = tpu.memref_slice %arg4[%add3A_90, %dma_start3A_290] : memref<128x128xi32, #tpu.memory_space<hbm>> -> memref<1x128xi32, #tpu.memory_space<hbm>>
      %dma_start3A_292 = tpu.memref_squeeze %dma_start3A_291 : memref<1x128xi32, #tpu.memory_space<hbm>> -> memref<128xi32, #tpu.memory_space<hbm>>
      %dma_start3A_293 = arith.constant 0 : i32
      %dma_start3A_294 = tpu.memref_slice %arg8[%run_scoped3A_91, %dma_start3A_293] : memref<2x128xi32, #tpu.memory_space<vmem>> -> memref<1x128xi32, #tpu.memory_space<vmem>>
      %dma_start3A_295 = tpu.memref_squeeze %dma_start3A_294 : memref<1x128xi32, #tpu.memory_space<vmem>> -> memref<128xi32, #tpu.memory_space<vmem>>
      %dma_start3A_296 = arith.constant 0 : i32
      %dma_start3A_297 = tpu.memref_slice %arg4[%add3A_90, %dma_start3A_296] : memref<128x128xi32, #tpu.memory_space<hbm>> -> memref<1x128xi32, #tpu.memory_space<hbm>>
      %dma_start3A_298 = tpu.memref_squeeze %dma_start3A_297 : memref<1x128xi32, #tpu.memory_space<hbm>> -> memref<128xi32, #tpu.memory_space<hbm>>
      tpu.enqueue_dma source(%dma_start3A_298 : memref<128xi32, #tpu.memory_space<hbm>>) target(%dma_start3A_295 : memref<128xi32, #tpu.memory_space<vmem>>) target_semaphore(%run_scoped3A_286 : memref<!tpu.dma_semaphore, #tpu.memory_space<semaphore_mem>>)
      %dma_wait3A_299 = arith.constant 0 : i32
      %dma_wait3A_300 = tpu.memref_slice %arg8[%run_scoped3A_91, %dma_wait3A_299] : memref<2x128xi32, #tpu.memory_space<vmem>> -> memref<1x128xi32, #tpu.memory_space<vmem>>
      %dma_wait3A_301 = tpu.memref_squeeze %dma_wait3A_300 : memref<1x128xi32, #tpu.memory_space<vmem>> -> memref<128xi32, #tpu.memory_space<vmem>>
      %dma_wait3A_302 = arith.constant 0 : i32
      %dma_wait3A_303 = tpu.memref_slice %arg4[%add3A_90, %dma_wait3A_302] : memref<128x128xi32, #tpu.memory_space<hbm>> -> memref<1x128xi32, #tpu.memory_space<hbm>>
      %dma_wait3A_304 = tpu.memref_squeeze %dma_wait3A_303 : memref<1x128xi32, #tpu.memory_space<hbm>> -> memref<128xi32, #tpu.memory_space<hbm>>
      %dma_wait3A_305 = arith.constant 0 : i32
      %dma_wait3A_306 = tpu.memref_slice %arg8[%run_scoped3A_91, %dma_wait3A_305] : memref<2x128xi32, #tpu.memory_space<vmem>> -> memref<1x128xi32, #tpu.memory_space<vmem>>
      %dma_wait3A_307 = tpu.memref_squeeze %dma_wait3A_306 : memref<1x128xi32, #tpu.memory_space<vmem>> -> memref<128xi32, #tpu.memory_space<vmem>>
      %dma_wait3A_308 = arith.constant 0 : i32
      %dma_wait3A_309 = tpu.memref_slice %arg4[%add3A_90, %dma_wait3A_308] : memref<128x128xi32, #tpu.memory_space<hbm>> -> memref<1x128xi32, #tpu.memory_space<hbm>>
      %dma_wait3A_310 = tpu.memref_squeeze %dma_wait3A_309 : memref<1x128xi32, #tpu.memory_space<hbm>> -> memref<128xi32, #tpu.memory_space<hbm>>
      tpu.wait_dma2 semaphore(%run_scoped3A_286 : memref<!tpu.dma_semaphore, #tpu.memory_space<semaphore_mem>>) src(%dma_wait3A_310 : memref<128xi32, #tpu.memory_space<hbm>>) dst(%dma_wait3A_307 : memref<128xi32, #tpu.memory_space<vmem>>)
      tpu.yield
    }) : () -> ()
    %dma_start3A_92 = arith.constant 1 : i32
    %dma_start3A_93 = arith.constant 1 : i32
    %dma_start3A_94 = arith.constant 0 : i32
    %dma_start3A_95 = arith.constant 0 : i32
    %dma_start3A_96 = tpu.memref_slice %arg9[%dma_start3A_93, %dma_start3A_94, %dma_start3A_95] : memref<2x128x128xi32, #tpu.memory_space<vmem>> -> memref<1x128x128xi32, #tpu.memory_space<vmem>>
    %dma_start3A_97 = tpu.memref_squeeze %dma_start3A_96 : memref<1x128x128xi32, #tpu.memory_space<vmem>> -> memref<128x128xi32, #tpu.memory_space<vmem>>
    %dma_start3A_98 = arith.constant 0 : i32
    %dma_start3A_99 = tpu.memref_slice %arg8[%dma_start3A_92, %dma_start3A_98] : memref<2x128xi32, #tpu.memory_space<vmem>> -> memref<1x128xi32, #tpu.memory_space<vmem>>
    %dma_start3A_100 = tpu.memref_squeeze %dma_start3A_99 : memref<1x128xi32, #tpu.memory_space<vmem>> -> memref<128xi32, #tpu.memory_space<vmem>>
    %dma_start3A_101 = arith.constant 0 : i32
    %dma_start3A_102 = arith.constant 0 : i32
    %dma_start3A_103 = tpu.memref_slice %arg2[%dma_start3A_101, %dma_start3A_102] : memref<250000x128xi32, #tpu.memory_space<hbm>> -> memref<250000x128xi32, #tpu.memory_space<hbm>>
    tpu.enqueue_indirect_dma source(%dma_start3A_103 : memref<250000x128xi32, #tpu.memory_space<hbm>>) target(%dma_start3A_97 : memref<128x128xi32, #tpu.memory_space<vmem>>) offsets(%dma_start3A_100 : memref<128xi32, #tpu.memory_space<vmem>>) semaphore(%arg11 : memref<!tpu.dma_semaphore, #tpu.memory_space<semaphore_mem>>)
    %mul3A_104 = arith.constant 4 : i32
    %mul3A_105 = arith.muli %add3A, %mul3A_104 : i32
    %add3A_106 = arith.constant 2 : i32
    %add3A_107 = arith.addi %mul3A_105, %add3A_106 : i32
    %dma_wait3A_108 = arith.constant 0 : i32
    %dma_wait3A_109 = arith.constant 0 : i32
    %dma_wait3A_110 = arith.constant 0 : i32
    %dma_wait3A_111 = arith.constant 0 : i32
    %dma_wait3A_112 = tpu.memref_slice %arg9[%dma_wait3A_109, %dma_wait3A_110, %dma_wait3A_111] : memref<2x128x128xi32, #tpu.memory_space<vmem>> -> memref<1x128x128xi32, #tpu.memory_space<vmem>>
    %dma_wait3A_113 = tpu.memref_squeeze %dma_wait3A_112 : memref<1x128x128xi32, #tpu.memory_space<vmem>> -> memref<128x128xi32, #tpu.memory_space<vmem>>
    %dma_wait3A_114 = arith.constant 0 : i32
    %dma_wait3A_115 = tpu.memref_slice %arg8[%dma_wait3A_108, %dma_wait3A_114] : memref<2x128xi32, #tpu.memory_space<vmem>> -> memref<1x128xi32, #tpu.memory_space<vmem>>
    %dma_wait3A_116 = tpu.memref_squeeze %dma_wait3A_115 : memref<1x128xi32, #tpu.memory_space<vmem>> -> memref<128xi32, #tpu.memory_space<vmem>>
    %dma_wait3A_117 = arith.constant 0 : i32
    %dma_wait3A_118 = arith.constant 0 : i32
    %dma_wait3A_119 = tpu.memref_slice %arg2[%dma_wait3A_117, %dma_wait3A_118] : memref<250000x128xi32, #tpu.memory_space<hbm>> -> memref<250000x128xi32, #tpu.memory_space<hbm>>
    tpu.wait_indirect_dma semaphore(%arg10 : memref<!tpu.dma_semaphore, #tpu.memory_space<semaphore_mem>>) src(%dma_wait3A_119 : memref<250000x128xi32, #tpu.memory_space<hbm>>) dst(%dma_wait3A_113 : memref<128x128xi32, #tpu.memory_space<vmem>>)
    %mul3A_120 = arith.constant 128 : i32
    %mul3A_121 = arith.muli %add3A_107, %mul3A_120 : i32
    %run_scoped3A_122 = arith.constant 0 : i32
    "tpu.region"() ({
      %run_scoped3A_286 = tpu.sem_alloc : memref<!tpu.dma_semaphore, #tpu.memory_space<semaphore_mem>>
      %dma_start3A_287 = arith.constant 0 : i32
      %dma_start3A_288 = arith.constant 0 : i32
      %dma_start3A_289 = tpu.memref_slice %arg9[%run_scoped3A_122, %dma_start3A_287, %dma_start3A_288] : memref<2x128x128xi32, #tpu.memory_space<vmem>> -> memref<1x128x128xi32, #tpu.memory_space<vmem>>
      %dma_start3A_290 = tpu.memref_squeeze %dma_start3A_289 : memref<1x128x128xi32, #tpu.memory_space<vmem>> -> memref<128x128xi32, #tpu.memory_space<vmem>>
      %dma_start3A_291 = arith.constant 0 : i32
      %dma_start3A_292 = tpu.memref_slice %arg6[%mul3A_121, %dma_start3A_291] : memref<16384x128xi32, #tpu.memory_space<hbm>> -> memref<128x128xi32, #tpu.memory_space<hbm>>
      %dma_start3A_293 = arith.constant 0 : i32
      %dma_start3A_294 = tpu.memref_slice %arg6[%mul3A_121, %dma_start3A_293] : memref<16384x128xi32, #tpu.memory_space<hbm>> -> memref<128x128xi32, #tpu.memory_space<hbm>>
      %dma_start3A_295 = arith.constant 0 : i32
      %dma_start3A_296 = arith.constant 0 : i32
      %dma_start3A_297 = tpu.memref_slice %arg9[%run_scoped3A_122, %dma_start3A_295, %dma_start3A_296] : memref<2x128x128xi32, #tpu.memory_space<vmem>> -> memref<1x128x128xi32, #tpu.memory_space<vmem>>
      %dma_start3A_298 = tpu.memref_squeeze %dma_start3A_297 : memref<1x128x128xi32, #tpu.memory_space<vmem>> -> memref<128x128xi32, #tpu.memory_space<vmem>>
      tpu.enqueue_dma source(%dma_start3A_298 : memref<128x128xi32, #tpu.memory_space<vmem>>) target(%dma_start3A_294 : memref<128x128xi32, #tpu.memory_space<hbm>>) target_semaphore(%run_scoped3A_286 : memref<!tpu.dma_semaphore, #tpu.memory_space<semaphore_mem>>)
      %dma_wait3A_299 = arith.constant 0 : i32
      %dma_wait3A_300 = arith.constant 0 : i32
      %dma_wait3A_301 = tpu.memref_slice %arg9[%run_scoped3A_122, %dma_wait3A_299, %dma_wait3A_300] : memref<2x128x128xi32, #tpu.memory_space<vmem>> -> memref<1x128x128xi32, #tpu.memory_space<vmem>>
      %dma_wait3A_302 = tpu.memref_squeeze %dma_wait3A_301 : memref<1x128x128xi32, #tpu.memory_space<vmem>> -> memref<128x128xi32, #tpu.memory_space<vmem>>
      %dma_wait3A_303 = arith.constant 0 : i32
      %dma_wait3A_304 = tpu.memref_slice %arg6[%mul3A_121, %dma_wait3A_303] : memref<16384x128xi32, #tpu.memory_space<hbm>> -> memref<128x128xi32, #tpu.memory_space<hbm>>
      %dma_wait3A_305 = arith.constant 0 : i32
      %dma_wait3A_306 = tpu.memref_slice %arg6[%mul3A_121, %dma_wait3A_305] : memref<16384x128xi32, #tpu.memory_space<hbm>> -> memref<128x128xi32, #tpu.memory_space<hbm>>
      %dma_wait3A_307 = arith.constant 0 : i32
      %dma_wait3A_308 = arith.constant 0 : i32
      %dma_wait3A_309 = tpu.memref_slice %arg9[%run_scoped3A_122, %dma_wait3A_307, %dma_wait3A_308] : memref<2x128x128xi32, #tpu.memory_space<vmem>> -> memref<1x128x128xi32, #tpu.memory_space<vmem>>
      %dma_wait3A_310 = tpu.memref_squeeze %dma_wait3A_309 : memref<1x128x128xi32, #tpu.memory_space<vmem>> -> memref<128x128xi32, #tpu.memory_space<vmem>>
      tpu.wait_dma2 semaphore(%run_scoped3A_286 : memref<!tpu.dma_semaphore, #tpu.memory_space<semaphore_mem>>) src(%dma_wait3A_310 : memref<128x128xi32, #tpu.memory_space<vmem>>) dst(%dma_wait3A_306 : memref<128x128xi32, #tpu.memory_space<hbm>>)
      tpu.yield
    }) : () -> ()
    %mul3A_123 = arith.constant 4 : i32
    %mul3A_124 = arith.muli %add3A, %mul3A_123 : i32
    %add3A_125 = arith.constant 0 : i32
    %add3A_126 = arith.addi %mul3A_124, %add3A_125 : i32
    %run_scoped3A_127 = arith.constant 0 : i32
    "tpu.region"() ({
      %run_scoped3A_286 = tpu.sem_alloc : memref<!tpu.dma_semaphore, #tpu.memory_space<semaphore_mem>>
      %dma_start3A_287 = arith.constant 0 : i32
      %dma_start3A_288 = tpu.memref_slice %arg8[%run_scoped3A_127, %dma_start3A_287] : memref<2x128xi32, #tpu.memory_space<vmem>> -> memref<1x128xi32, #tpu.memory_space<vmem>>
      %dma_start3A_289 = tpu.memref_squeeze %dma_start3A_288 : memref<1x128xi32, #tpu.memory_space<vmem>> -> memref<128xi32, #tpu.memory_space<vmem>>
      %dma_start3A_290 = arith.constant 0 : i32
      %dma_start3A_291 = tpu.memref_slice %arg5[%add3A_126, %dma_start3A_290] : memref<128x128xi32, #tpu.memory_space<hbm>> -> memref<1x128xi32, #tpu.memory_space<hbm>>
      %dma_start3A_292 = tpu.memref_squeeze %dma_start3A_291 : memref<1x128xi32, #tpu.memory_space<hbm>> -> memref<128xi32, #tpu.memory_space<hbm>>
      %dma_start3A_293 = arith.constant 0 : i32
      %dma_start3A_294 = tpu.memref_slice %arg8[%run_scoped3A_127, %dma_start3A_293] : memref<2x128xi32, #tpu.memory_space<vmem>> -> memref<1x128xi32, #tpu.memory_space<vmem>>
      %dma_start3A_295 = tpu.memref_squeeze %dma_start3A_294 : memref<1x128xi32, #tpu.memory_space<vmem>> -> memref<128xi32, #tpu.memory_space<vmem>>
      %dma_start3A_296 = arith.constant 0 : i32
      %dma_start3A_297 = tpu.memref_slice %arg5[%add3A_126, %dma_start3A_296] : memref<128x128xi32, #tpu.memory_space<hbm>> -> memref<1x128xi32, #tpu.memory_space<hbm>>
      %dma_start3A_298 = tpu.memref_squeeze %dma_start3A_297 : memref<1x128xi32, #tpu.memory_space<hbm>> -> memref<128xi32, #tpu.memory_space<hbm>>
      tpu.enqueue_dma source(%dma_start3A_298 : memref<128xi32, #tpu.memory_space<hbm>>) target(%dma_start3A_295 : memref<128xi32, #tpu.memory_space<vmem>>) target_semaphore(%run_scoped3A_286 : memref<!tpu.dma_semaphore, #tpu.memory_space<semaphore_mem>>)
      %dma_wait3A_299 = arith.constant 0 : i32
      %dma_wait3A_300 = tpu.memref_slice %arg8[%run_scoped3A_127, %dma_wait3A_299] : memref<2x128xi32, #tpu.memory_space<vmem>> -> memref<1x128xi32, #tpu.memory_space<vmem>>
      %dma_wait3A_301 = tpu.memref_squeeze %dma_wait3A_300 : memref<1x128xi32, #tpu.memory_space<vmem>> -> memref<128xi32, #tpu.memory_space<vmem>>
      %dma_wait3A_302 = arith.constant 0 : i32
      %dma_wait3A_303 = tpu.memref_slice %arg5[%add3A_126, %dma_wait3A_302] : memref<128x128xi32, #tpu.memory_space<hbm>> -> memref<1x128xi32, #tpu.memory_space<hbm>>
      %dma_wait3A_304 = tpu.memref_squeeze %dma_wait3A_303 : memref<1x128xi32, #tpu.memory_space<hbm>> -> memref<128xi32, #tpu.memory_space<hbm>>
      %dma_wait3A_305 = arith.constant 0 : i32
      %dma_wait3A_306 = tpu.memref_slice %arg8[%run_scoped3A_127, %dma_wait3A_305] : memref<2x128xi32, #tpu.memory_space<vmem>> -> memref<1x128xi32, #tpu.memory_space<vmem>>
      %dma_wait3A_307 = tpu.memref_squeeze %dma_wait3A_306 : memref<1x128xi32, #tpu.memory_space<vmem>> -> memref<128xi32, #tpu.memory_space<vmem>>
      %dma_wait3A_308 = arith.constant 0 : i32
      %dma_wait3A_309 = tpu.memref_slice %arg5[%add3A_126, %dma_wait3A_308] : memref<128x128xi32, #tpu.memory_space<hbm>> -> memref<1x128xi32, #tpu.memory_space<hbm>>
      %dma_wait3A_310 = tpu.memref_squeeze %dma_wait3A_309 : memref<1x128xi32, #tpu.memory_space<hbm>> -> memref<128xi32, #tpu.memory_space<hbm>>
      tpu.wait_dma2 semaphore(%run_scoped3A_286 : memref<!tpu.dma_semaphore, #tpu.memory_space<semaphore_mem>>) src(%dma_wait3A_310 : memref<128xi32, #tpu.memory_space<hbm>>) dst(%dma_wait3A_307 : memref<128xi32, #tpu.memory_space<vmem>>)
      tpu.yield
    }) : () -> ()
    %dma_start3A_128 = arith.constant 0 : i32
    %dma_start3A_129 = arith.constant 0 : i32
    %dma_start3A_130 = arith.constant 0 : i32
    %dma_start3A_131 = arith.constant 0 : i32
    %dma_start3A_132 = tpu.memref_slice %arg9[%dma_start3A_129, %dma_start3A_130, %dma_start3A_131] : memref<2x128x128xi32, #tpu.memory_space<vmem>> -> memref<1x128x128xi32, #tpu.memory_space<vmem>>
    %dma_start3A_133 = tpu.memref_squeeze %dma_start3A_132 : memref<1x128x128xi32, #tpu.memory_space<vmem>> -> memref<128x128xi32, #tpu.memory_space<vmem>>
    %dma_start3A_134 = arith.constant 0 : i32
    %dma_start3A_135 = tpu.memref_slice %arg8[%dma_start3A_128, %dma_start3A_134] : memref<2x128xi32, #tpu.memory_space<vmem>> -> memref<1x128xi32, #tpu.memory_space<vmem>>
    %dma_start3A_136 = tpu.memref_squeeze %dma_start3A_135 : memref<1x128xi32, #tpu.memory_space<vmem>> -> memref<128xi32, #tpu.memory_space<vmem>>
    %dma_start3A_137 = arith.constant 0 : i32
    %dma_start3A_138 = arith.constant 0 : i32
    %dma_start3A_139 = tpu.memref_slice %arg3[%dma_start3A_137, %dma_start3A_138] : memref<250000x128xi32, #tpu.memory_space<hbm>> -> memref<250000x128xi32, #tpu.memory_space<hbm>>
    tpu.enqueue_indirect_dma source(%dma_start3A_139 : memref<250000x128xi32, #tpu.memory_space<hbm>>) target(%dma_start3A_133 : memref<128x128xi32, #tpu.memory_space<vmem>>) offsets(%dma_start3A_136 : memref<128xi32, #tpu.memory_space<vmem>>) semaphore(%arg10 : memref<!tpu.dma_semaphore, #tpu.memory_space<semaphore_mem>>)
    %mul3A_140 = arith.constant 4 : i32
    %mul3A_141 = arith.muli %add3A, %mul3A_140 : i32
    %add3A_142 = arith.constant 3 : i32
    %add3A_143 = arith.addi %mul3A_141, %add3A_142 : i32
    %dma_wait3A_144 = arith.constant 1 : i32
    %dma_wait3A_145 = arith.constant 1 : i32
    %dma_wait3A_146 = arith.constant 0 : i32
    %dma_wait3A_147 = arith.constant 0 : i32
    %dma_wait3A_148 = tpu.memref_slice %arg9[%dma_wait3A_145, %dma_wait3A_146, %dma_wait3A_147] : memref<2x128x128xi32, #tpu.memory_space<vmem>> -> memref<1x128x128xi32, #tpu.memory_space<vmem>>
    %dma_wait3A_149 = tpu.memref_squeeze %dma_wait3A_148 : memref<1x128x128xi32, #tpu.memory_space<vmem>> -> memref<128x128xi32, #tpu.memory_space<vmem>>
    %dma_wait3A_150 = arith.constant 0 : i32
    %dma_wait3A_151 = tpu.memref_slice %arg8[%dma_wait3A_144, %dma_wait3A_150] : memref<2x128xi32, #tpu.memory_space<vmem>> -> memref<1x128xi32, #tpu.memory_space<vmem>>
    %dma_wait3A_152 = tpu.memref_squeeze %dma_wait3A_151 : memref<1x128xi32, #tpu.memory_space<vmem>> -> memref<128xi32, #tpu.memory_space<vmem>>
    %dma_wait3A_153 = arith.constant 0 : i32
    %dma_wait3A_154 = arith.constant 0 : i32
    %dma_wait3A_155 = tpu.memref_slice %arg2[%dma_wait3A_153, %dma_wait3A_154] : memref<250000x128xi32, #tpu.memory_space<hbm>> -> memref<250000x128xi32, #tpu.memory_space<hbm>>
    tpu.wait_indirect_dma semaphore(%arg11 : memref<!tpu.dma_semaphore, #tpu.memory_space<semaphore_mem>>) src(%dma_wait3A_155 : memref<250000x128xi32, #tpu.memory_space<hbm>>) dst(%dma_wait3A_149 : memref<128x128xi32, #tpu.memory_space<vmem>>)
    %mul3A_156 = arith.constant 128 : i32
    %mul3A_157 = arith.muli %add3A_143, %mul3A_156 : i32
    %run_scoped3A_158 = arith.constant 1 : i32
    "tpu.region"() ({
      %run_scoped3A_286 = tpu.sem_alloc : memref<!tpu.dma_semaphore, #tpu.memory_space<semaphore_mem>>
      %dma_start3A_287 = arith.constant 0 : i32
      %dma_start3A_288 = arith.constant 0 : i32
      %dma_start3A_289 = tpu.memref_slice %arg9[%run_scoped3A_158, %dma_start3A_287, %dma_start3A_288] : memref<2x128x128xi32, #tpu.memory_space<vmem>> -> memref<1x128x128xi32, #tpu.memory_space<vmem>>
      %dma_start3A_290 = tpu.memref_squeeze %dma_start3A_289 : memref<1x128x128xi32, #tpu.memory_space<vmem>> -> memref<128x128xi32, #tpu.memory_space<vmem>>
      %dma_start3A_291 = arith.constant 0 : i32
      %dma_start3A_292 = tpu.memref_slice %arg6[%mul3A_157, %dma_start3A_291] : memref<16384x128xi32, #tpu.memory_space<hbm>> -> memref<128x128xi32, #tpu.memory_space<hbm>>
      %dma_start3A_293 = arith.constant 0 : i32
      %dma_start3A_294 = tpu.memref_slice %arg6[%mul3A_157, %dma_start3A_293] : memref<16384x128xi32, #tpu.memory_space<hbm>> -> memref<128x128xi32, #tpu.memory_space<hbm>>
      %dma_start3A_295 = arith.constant 0 : i32
      %dma_start3A_296 = arith.constant 0 : i32
      %dma_start3A_297 = tpu.memref_slice %arg9[%run_scoped3A_158, %dma_start3A_295, %dma_start3A_296] : memref<2x128x128xi32, #tpu.memory_space<vmem>> -> memref<1x128x128xi32, #tpu.memory_space<vmem>>
      %dma_start3A_298 = tpu.memref_squeeze %dma_start3A_297 : memref<1x128x128xi32, #tpu.memory_space<vmem>> -> memref<128x128xi32, #tpu.memory_space<vmem>>
      tpu.enqueue_dma source(%dma_start3A_298 : memref<128x128xi32, #tpu.memory_space<vmem>>) target(%dma_start3A_294 : memref<128x128xi32, #tpu.memory_space<hbm>>) target_semaphore(%run_scoped3A_286 : memref<!tpu.dma_semaphore, #tpu.memory_space<semaphore_mem>>)
      %dma_wait3A_299 = arith.constant 0 : i32
      %dma_wait3A_300 = arith.constant 0 : i32
      %dma_wait3A_301 = tpu.memref_slice %arg9[%run_scoped3A_158, %dma_wait3A_299, %dma_wait3A_300] : memref<2x128x128xi32, #tpu.memory_space<vmem>> -> memref<1x128x128xi32, #tpu.memory_space<vmem>>
      %dma_wait3A_302 = tpu.memref_squeeze %dma_wait3A_301 : memref<1x128x128xi32, #tpu.memory_space<vmem>> -> memref<128x128xi32, #tpu.memory_space<vmem>>
      %dma_wait3A_303 = arith.constant 0 : i32
      %dma_wait3A_304 = tpu.memref_slice %arg6[%mul3A_157, %dma_wait3A_303] : memref<16384x128xi32, #tpu.memory_space<hbm>> -> memref<128x128xi32, #tpu.memory_space<hbm>>
      %dma_wait3A_305 = arith.constant 0 : i32
      %dma_wait3A_306 = tpu.memref_slice %arg6[%mul3A_157, %dma_wait3A_305] : memref<16384x128xi32, #tpu.memory_space<hbm>> -> memref<128x128xi32, #tpu.memory_space<hbm>>
      %dma_wait3A_307 = arith.constant 0 : i32
      %dma_wait3A_308 = arith.constant 0 : i32
      %dma_wait3A_309 = tpu.memref_slice %arg9[%run_scoped3A_158, %dma_wait3A_307, %dma_wait3A_308] : memref<2x128x128xi32, #tpu.memory_space<vmem>> -> memref<1x128x128xi32, #tpu.memory_space<vmem>>
      %dma_wait3A_310 = tpu.memref_squeeze %dma_wait3A_309 : memref<1x128x128xi32, #tpu.memory_space<vmem>> -> memref<128x128xi32, #tpu.memory_space<vmem>>
      tpu.wait_dma2 semaphore(%run_scoped3A_286 : memref<!tpu.dma_semaphore, #tpu.memory_space<semaphore_mem>>) src(%dma_wait3A_310 : memref<128x128xi32, #tpu.memory_space<vmem>>) dst(%dma_wait3A_306 : memref<128x128xi32, #tpu.memory_space<hbm>>)
      tpu.yield
    }) : () -> ()
    %mul3A_159 = arith.constant 4 : i32
    %mul3A_160 = arith.muli %add3A, %mul3A_159 : i32
    %add3A_161 = arith.constant 1 : i32
    %add3A_162 = arith.addi %mul3A_160, %add3A_161 : i32
    %run_scoped3A_163 = arith.constant 1 : i32
    "tpu.region"() ({
      %run_scoped3A_286 = tpu.sem_alloc : memref<!tpu.dma_semaphore, #tpu.memory_space<semaphore_mem>>
      %dma_start3A_287 = arith.constant 0 : i32
      %dma_start3A_288 = tpu.memref_slice %arg8[%run_scoped3A_163, %dma_start3A_287] : memref<2x128xi32, #tpu.memory_space<vmem>> -> memref<1x128xi32, #tpu.memory_space<vmem>>
      %dma_start3A_289 = tpu.memref_squeeze %dma_start3A_288 : memref<1x128xi32, #tpu.memory_space<vmem>> -> memref<128xi32, #tpu.memory_space<vmem>>
      %dma_start3A_290 = arith.constant 0 : i32
      %dma_start3A_291 = tpu.memref_slice %arg5[%add3A_162, %dma_start3A_290] : memref<128x128xi32, #tpu.memory_space<hbm>> -> memref<1x128xi32, #tpu.memory_space<hbm>>
      %dma_start3A_292 = tpu.memref_squeeze %dma_start3A_291 : memref<1x128xi32, #tpu.memory_space<hbm>> -> memref<128xi32, #tpu.memory_space<hbm>>
      %dma_start3A_293 = arith.constant 0 : i32
      %dma_start3A_294 = tpu.memref_slice %arg8[%run_scoped3A_163, %dma_start3A_293] : memref<2x128xi32, #tpu.memory_space<vmem>> -> memref<1x128xi32, #tpu.memory_space<vmem>>
      %dma_start3A_295 = tpu.memref_squeeze %dma_start3A_294 : memref<1x128xi32, #tpu.memory_space<vmem>> -> memref<128xi32, #tpu.memory_space<vmem>>
      %dma_start3A_296 = arith.constant 0 : i32
      %dma_start3A_297 = tpu.memref_slice %arg5[%add3A_162, %dma_start3A_296] : memref<128x128xi32, #tpu.memory_space<hbm>> -> memref<1x128xi32, #tpu.memory_space<hbm>>
      %dma_start3A_298 = tpu.memref_squeeze %dma_start3A_297 : memref<1x128xi32, #tpu.memory_space<hbm>> -> memref<128xi32, #tpu.memory_space<hbm>>
      tpu.enqueue_dma source(%dma_start3A_298 : memref<128xi32, #tpu.memory_space<hbm>>) target(%dma_start3A_295 : memref<128xi32, #tpu.memory_space<vmem>>) target_semaphore(%run_scoped3A_286 : memref<!tpu.dma_semaphore, #tpu.memory_space<semaphore_mem>>)
      %dma_wait3A_299 = arith.constant 0 : i32
      %dma_wait3A_300 = tpu.memref_slice %arg8[%run_scoped3A_163, %dma_wait3A_299] : memref<2x128xi32, #tpu.memory_space<vmem>> -> memref<1x128xi32, #tpu.memory_space<vmem>>
      %dma_wait3A_301 = tpu.memref_squeeze %dma_wait3A_300 : memref<1x128xi32, #tpu.memory_space<vmem>> -> memref<128xi32, #tpu.memory_space<vmem>>
      %dma_wait3A_302 = arith.constant 0 : i32
      %dma_wait3A_303 = tpu.memref_slice %arg5[%add3A_162, %dma_wait3A_302] : memref<128x128xi32, #tpu.memory_space<hbm>> -> memref<1x128xi32, #tpu.memory_space<hbm>>
      %dma_wait3A_304 = tpu.memref_squeeze %dma_wait3A_303 : memref<1x128xi32, #tpu.memory_space<hbm>> -> memref<128xi32, #tpu.memory_space<hbm>>
      %dma_wait3A_305 = arith.constant 0 : i32
      %dma_wait3A_306 = tpu.memref_slice %arg8[%run_scoped3A_163, %dma_wait3A_305] : memref<2x128xi32, #tpu.memory_space<vmem>> -> memref<1x128xi32, #tpu.memory_space<vmem>>
      %dma_wait3A_307 = tpu.memref_squeeze %dma_wait3A_306 : memref<1x128xi32, #tpu.memory_space<vmem>> -> memref<128xi32, #tpu.memory_space<vmem>>
      %dma_wait3A_308 = arith.constant 0 : i32
      %dma_wait3A_309 = tpu.memref_slice %arg5[%add3A_162, %dma_wait3A_308] : memref<128x128xi32, #tpu.memory_space<hbm>> -> memref<1x128xi32, #tpu.memory_space<hbm>>
      %dma_wait3A_310 = tpu.memref_squeeze %dma_wait3A_309 : memref<1x128xi32, #tpu.memory_space<hbm>> -> memref<128xi32, #tpu.memory_space<hbm>>
      tpu.wait_dma2 semaphore(%run_scoped3A_286 : memref<!tpu.dma_semaphore, #tpu.memory_space<semaphore_mem>>) src(%dma_wait3A_310 : memref<128xi32, #tpu.memory_space<hbm>>) dst(%dma_wait3A_307 : memref<128xi32, #tpu.memory_space<vmem>>)
      tpu.yield
    }) : () -> ()
    %dma_start3A_164 = arith.constant 1 : i32
    %dma_start3A_165 = arith.constant 1 : i32
    %dma_start3A_166 = arith.constant 0 : i32
    %dma_start3A_167 = arith.constant 0 : i32
    %dma_start3A_168 = tpu.memref_slice %arg9[%dma_start3A_165, %dma_start3A_166, %dma_start3A_167] : memref<2x128x128xi32, #tpu.memory_space<vmem>> -> memref<1x128x128xi32, #tpu.memory_space<vmem>>
    %dma_start3A_169 = tpu.memref_squeeze %dma_start3A_168 : memref<1x128x128xi32, #tpu.memory_space<vmem>> -> memref<128x128xi32, #tpu.memory_space<vmem>>
    %dma_start3A_170 = arith.constant 0 : i32
    %dma_start3A_171 = tpu.memref_slice %arg8[%dma_start3A_164, %dma_start3A_170] : memref<2x128xi32, #tpu.memory_space<vmem>> -> memref<1x128xi32, #tpu.memory_space<vmem>>
    %dma_start3A_172 = tpu.memref_squeeze %dma_start3A_171 : memref<1x128xi32, #tpu.memory_space<vmem>> -> memref<128xi32, #tpu.memory_space<vmem>>
    %dma_start3A_173 = arith.constant 0 : i32
    %dma_start3A_174 = arith.constant 0 : i32
    %dma_start3A_175 = tpu.memref_slice %arg3[%dma_start3A_173, %dma_start3A_174] : memref<250000x128xi32, #tpu.memory_space<hbm>> -> memref<250000x128xi32, #tpu.memory_space<hbm>>
    tpu.enqueue_indirect_dma source(%dma_start3A_175 : memref<250000x128xi32, #tpu.memory_space<hbm>>) target(%dma_start3A_169 : memref<128x128xi32, #tpu.memory_space<vmem>>) offsets(%dma_start3A_172 : memref<128xi32, #tpu.memory_space<vmem>>) semaphore(%arg11 : memref<!tpu.dma_semaphore, #tpu.memory_space<semaphore_mem>>)
    %mul3A_176 = arith.constant 4 : i32
    %mul3A_177 = arith.muli %add3A, %mul3A_176 : i32
    %add3A_178 = arith.constant 0 : i32
    %add3A_179 = arith.addi %mul3A_177, %add3A_178 : i32
    %dma_wait3A_180 = arith.constant 0 : i32
    %dma_wait3A_181 = arith.constant 0 : i32
    %dma_wait3A_182 = arith.constant 0 : i32
    %dma_wait3A_183 = arith.constant 0 : i32
    %dma_wait3A_184 = tpu.memref_slice %arg9[%dma_wait3A_181, %dma_wait3A_182, %dma_wait3A_183] : memref<2x128x128xi32, #tpu.memory_space<vmem>> -> memref<1x128x128xi32, #tpu.memory_space<vmem>>
    %dma_wait3A_185 = tpu.memref_squeeze %dma_wait3A_184 : memref<1x128x128xi32, #tpu.memory_space<vmem>> -> memref<128x128xi32, #tpu.memory_space<vmem>>
    %dma_wait3A_186 = arith.constant 0 : i32
    %dma_wait3A_187 = tpu.memref_slice %arg8[%dma_wait3A_180, %dma_wait3A_186] : memref<2x128xi32, #tpu.memory_space<vmem>> -> memref<1x128xi32, #tpu.memory_space<vmem>>
    %dma_wait3A_188 = tpu.memref_squeeze %dma_wait3A_187 : memref<1x128xi32, #tpu.memory_space<vmem>> -> memref<128xi32, #tpu.memory_space<vmem>>
    %dma_wait3A_189 = arith.constant 0 : i32
    %dma_wait3A_190 = arith.constant 0 : i32
    %dma_wait3A_191 = tpu.memref_slice %arg3[%dma_wait3A_189, %dma_wait3A_190] : memref<250000x128xi32, #tpu.memory_space<hbm>> -> memref<250000x128xi32, #tpu.memory_space<hbm>>
    tpu.wait_indirect_dma semaphore(%arg10 : memref<!tpu.dma_semaphore, #tpu.memory_space<semaphore_mem>>) src(%dma_wait3A_191 : memref<250000x128xi32, #tpu.memory_space<hbm>>) dst(%dma_wait3A_185 : memref<128x128xi32, #tpu.memory_space<vmem>>)
    %mul3A_192 = arith.constant 128 : i32
    %mul3A_193 = arith.muli %add3A_179, %mul3A_192 : i32
    %run_scoped3A_194 = arith.constant 0 : i32
    "tpu.region"() ({
      %run_scoped3A_286 = tpu.sem_alloc : memref<!tpu.dma_semaphore, #tpu.memory_space<semaphore_mem>>
      %dma_start3A_287 = arith.constant 0 : i32
      %dma_start3A_288 = arith.constant 0 : i32
      %dma_start3A_289 = tpu.memref_slice %arg9[%run_scoped3A_194, %dma_start3A_287, %dma_start3A_288] : memref<2x128x128xi32, #tpu.memory_space<vmem>> -> memref<1x128x128xi32, #tpu.memory_space<vmem>>
      %dma_start3A_290 = tpu.memref_squeeze %dma_start3A_289 : memref<1x128x128xi32, #tpu.memory_space<vmem>> -> memref<128x128xi32, #tpu.memory_space<vmem>>
      %dma_start3A_291 = arith.constant 0 : i32
      %dma_start3A_292 = tpu.memref_slice %arg7[%mul3A_193, %dma_start3A_291] : memref<16384x128xi32, #tpu.memory_space<hbm>> -> memref<128x128xi32, #tpu.memory_space<hbm>>
      %dma_start3A_293 = arith.constant 0 : i32
      %dma_start3A_294 = tpu.memref_slice %arg7[%mul3A_193, %dma_start3A_293] : memref<16384x128xi32, #tpu.memory_space<hbm>> -> memref<128x128xi32, #tpu.memory_space<hbm>>
      %dma_start3A_295 = arith.constant 0 : i32
      %dma_start3A_296 = arith.constant 0 : i32
      %dma_start3A_297 = tpu.memref_slice %arg9[%run_scoped3A_194, %dma_start3A_295, %dma_start3A_296] : memref<2x128x128xi32, #tpu.memory_space<vmem>> -> memref<1x128x128xi32, #tpu.memory_space<vmem>>
      %dma_start3A_298 = tpu.memref_squeeze %dma_start3A_297 : memref<1x128x128xi32, #tpu.memory_space<vmem>> -> memref<128x128xi32, #tpu.memory_space<vmem>>
      tpu.enqueue_dma source(%dma_start3A_298 : memref<128x128xi32, #tpu.memory_space<vmem>>) target(%dma_start3A_294 : memref<128x128xi32, #tpu.memory_space<hbm>>) target_semaphore(%run_scoped3A_286 : memref<!tpu.dma_semaphore, #tpu.memory_space<semaphore_mem>>)
      %dma_wait3A_299 = arith.constant 0 : i32
      %dma_wait3A_300 = arith.constant 0 : i32
      %dma_wait3A_301 = tpu.memref_slice %arg9[%run_scoped3A_194, %dma_wait3A_299, %dma_wait3A_300] : memref<2x128x128xi32, #tpu.memory_space<vmem>> -> memref<1x128x128xi32, #tpu.memory_space<vmem>>
      %dma_wait3A_302 = tpu.memref_squeeze %dma_wait3A_301 : memref<1x128x128xi32, #tpu.memory_space<vmem>> -> memref<128x128xi32, #tpu.memory_space<vmem>>
      %dma_wait3A_303 = arith.constant 0 : i32
      %dma_wait3A_304 = tpu.memref_slice %arg7[%mul3A_193, %dma_wait3A_303] : memref<16384x128xi32, #tpu.memory_space<hbm>> -> memref<128x128xi32, #tpu.memory_space<hbm>>
      %dma_wait3A_305 = arith.constant 0 : i32
      %dma_wait3A_306 = tpu.memref_slice %arg7[%mul3A_193, %dma_wait3A_305] : memref<16384x128xi32, #tpu.memory_space<hbm>> -> memref<128x128xi32, #tpu.memory_space<hbm>>
      %dma_wait3A_307 = arith.constant 0 : i32
      %dma_wait3A_308 = arith.constant 0 : i32
      %dma_wait3A_309 = tpu.memref_slice %arg9[%run_scoped3A_194, %dma_wait3A_307, %dma_wait3A_308] : memref<2x128x128xi32, #tpu.memory_space<vmem>> -> memref<1x128x128xi32, #tpu.memory_space<vmem>>
      %dma_wait3A_310 = tpu.memref_squeeze %dma_wait3A_309 : memref<1x128x128xi32, #tpu.memory_space<vmem>> -> memref<128x128xi32, #tpu.memory_space<vmem>>
      tpu.wait_dma2 semaphore(%run_scoped3A_286 : memref<!tpu.dma_semaphore, #tpu.memory_space<semaphore_mem>>) src(%dma_wait3A_310 : memref<128x128xi32, #tpu.memory_space<vmem>>) dst(%dma_wait3A_306 : memref<128x128xi32, #tpu.memory_space<hbm>>)
      tpu.yield
    }) : () -> ()
    %mul3A_195 = arith.constant 4 : i32
    %mul3A_196 = arith.muli %add3A, %mul3A_195 : i32
    %add3A_197 = arith.constant 2 : i32
    %add3A_198 = arith.addi %mul3A_196, %add3A_197 : i32
    %run_scoped3A_199 = arith.constant 0 : i32
    "tpu.region"() ({
      %run_scoped3A_286 = tpu.sem_alloc : memref<!tpu.dma_semaphore, #tpu.memory_space<semaphore_mem>>
      %dma_start3A_287 = arith.constant 0 : i32
      %dma_start3A_288 = tpu.memref_slice %arg8[%run_scoped3A_199, %dma_start3A_287] : memref<2x128xi32, #tpu.memory_space<vmem>> -> memref<1x128xi32, #tpu.memory_space<vmem>>
      %dma_start3A_289 = tpu.memref_squeeze %dma_start3A_288 : memref<1x128xi32, #tpu.memory_space<vmem>> -> memref<128xi32, #tpu.memory_space<vmem>>
      %dma_start3A_290 = arith.constant 0 : i32
      %dma_start3A_291 = tpu.memref_slice %arg5[%add3A_198, %dma_start3A_290] : memref<128x128xi32, #tpu.memory_space<hbm>> -> memref<1x128xi32, #tpu.memory_space<hbm>>
      %dma_start3A_292 = tpu.memref_squeeze %dma_start3A_291 : memref<1x128xi32, #tpu.memory_space<hbm>> -> memref<128xi32, #tpu.memory_space<hbm>>
      %dma_start3A_293 = arith.constant 0 : i32
      %dma_start3A_294 = tpu.memref_slice %arg8[%run_scoped3A_199, %dma_start3A_293] : memref<2x128xi32, #tpu.memory_space<vmem>> -> memref<1x128xi32, #tpu.memory_space<vmem>>
      %dma_start3A_295 = tpu.memref_squeeze %dma_start3A_294 : memref<1x128xi32, #tpu.memory_space<vmem>> -> memref<128xi32, #tpu.memory_space<vmem>>
      %dma_start3A_296 = arith.constant 0 : i32
      %dma_start3A_297 = tpu.memref_slice %arg5[%add3A_198, %dma_start3A_296] : memref<128x128xi32, #tpu.memory_space<hbm>> -> memref<1x128xi32, #tpu.memory_space<hbm>>
      %dma_start3A_298 = tpu.memref_squeeze %dma_start3A_297 : memref<1x128xi32, #tpu.memory_space<hbm>> -> memref<128xi32, #tpu.memory_space<hbm>>
      tpu.enqueue_dma source(%dma_start3A_298 : memref<128xi32, #tpu.memory_space<hbm>>) target(%dma_start3A_295 : memref<128xi32, #tpu.memory_space<vmem>>) target_semaphore(%run_scoped3A_286 : memref<!tpu.dma_semaphore, #tpu.memory_space<semaphore_mem>>)
      %dma_wait3A_299 = arith.constant 0 : i32
      %dma_wait3A_300 = tpu.memref_slice %arg8[%run_scoped3A_199, %dma_wait3A_299] : memref<2x128xi32, #tpu.memory_space<vmem>> -> memref<1x128xi32, #tpu.memory_space<vmem>>
      %dma_wait3A_301 = tpu.memref_squeeze %dma_wait3A_300 : memref<1x128xi32, #tpu.memory_space<vmem>> -> memref<128xi32, #tpu.memory_space<vmem>>
      %dma_wait3A_302 = arith.constant 0 : i32
      %dma_wait3A_303 = tpu.memref_slice %arg5[%add3A_198, %dma_wait3A_302] : memref<128x128xi32, #tpu.memory_space<hbm>> -> memref<1x128xi32, #tpu.memory_space<hbm>>
      %dma_wait3A_304 = tpu.memref_squeeze %dma_wait3A_303 : memref<1x128xi32, #tpu.memory_space<hbm>> -> memref<128xi32, #tpu.memory_space<hbm>>
      %dma_wait3A_305 = arith.constant 0 : i32
      %dma_wait3A_306 = tpu.memref_slice %arg8[%run_scoped3A_199, %dma_wait3A_305] : memref<2x128xi32, #tpu.memory_space<vmem>> -> memref<1x128xi32, #tpu.memory_space<vmem>>
      %dma_wait3A_307 = tpu.memref_squeeze %dma_wait3A_306 : memref<1x128xi32, #tpu.memory_space<vmem>> -> memref<128xi32, #tpu.memory_space<vmem>>
      %dma_wait3A_308 = arith.constant 0 : i32
      %dma_wait3A_309 = tpu.memref_slice %arg5[%add3A_198, %dma_wait3A_308] : memref<128x128xi32, #tpu.memory_space<hbm>> -> memref<1x128xi32, #tpu.memory_space<hbm>>
      %dma_wait3A_310 = tpu.memref_squeeze %dma_wait3A_309 : memref<1x128xi32, #tpu.memory_space<hbm>> -> memref<128xi32, #tpu.memory_space<hbm>>
      tpu.wait_dma2 semaphore(%run_scoped3A_286 : memref<!tpu.dma_semaphore, #tpu.memory_space<semaphore_mem>>) src(%dma_wait3A_310 : memref<128xi32, #tpu.memory_space<hbm>>) dst(%dma_wait3A_307 : memref<128xi32, #tpu.memory_space<vmem>>)
      tpu.yield
    }) : () -> ()
    %dma_start3A_200 = arith.constant 0 : i32
    %dma_start3A_201 = arith.constant 0 : i32
    %dma_start3A_202 = arith.constant 0 : i32
    %dma_start3A_203 = arith.constant 0 : i32
    %dma_start3A_204 = tpu.memref_slice %arg9[%dma_start3A_201, %dma_start3A_202, %dma_start3A_203] : memref<2x128x128xi32, #tpu.memory_space<vmem>> -> memref<1x128x128xi32, #tpu.memory_space<vmem>>
    %dma_start3A_205 = tpu.memref_squeeze %dma_start3A_204 : memref<1x128x128xi32, #tpu.memory_space<vmem>> -> memref<128x128xi32, #tpu.memory_space<vmem>>
    %dma_start3A_206 = arith.constant 0 : i32
    %dma_start3A_207 = tpu.memref_slice %arg8[%dma_start3A_200, %dma_start3A_206] : memref<2x128xi32, #tpu.memory_space<vmem>> -> memref<1x128xi32, #tpu.memory_space<vmem>>
    %dma_start3A_208 = tpu.memref_squeeze %dma_start3A_207 : memref<1x128xi32, #tpu.memory_space<vmem>> -> memref<128xi32, #tpu.memory_space<vmem>>
    %dma_start3A_209 = arith.constant 0 : i32
    %dma_start3A_210 = arith.constant 0 : i32
    %dma_start3A_211 = tpu.memref_slice %arg3[%dma_start3A_209, %dma_start3A_210] : memref<250000x128xi32, #tpu.memory_space<hbm>> -> memref<250000x128xi32, #tpu.memory_space<hbm>>
    tpu.enqueue_indirect_dma source(%dma_start3A_211 : memref<250000x128xi32, #tpu.memory_space<hbm>>) target(%dma_start3A_205 : memref<128x128xi32, #tpu.memory_space<vmem>>) offsets(%dma_start3A_208 : memref<128xi32, #tpu.memory_space<vmem>>) semaphore(%arg10 : memref<!tpu.dma_semaphore, #tpu.memory_space<semaphore_mem>>)
    %mul3A_212 = arith.constant 4 : i32
    %mul3A_213 = arith.muli %add3A, %mul3A_212 : i32
    %add3A_214 = arith.constant 1 : i32
    %add3A_215 = arith.addi %mul3A_213, %add3A_214 : i32
    %dma_wait3A_216 = arith.constant 1 : i32
    %dma_wait3A_217 = arith.constant 1 : i32
    %dma_wait3A_218 = arith.constant 0 : i32
    %dma_wait3A_219 = arith.constant 0 : i32
    %dma_wait3A_220 = tpu.memref_slice %arg9[%dma_wait3A_217, %dma_wait3A_218, %dma_wait3A_219] : memref<2x128x128xi32, #tpu.memory_space<vmem>> -> memref<1x128x128xi32, #tpu.memory_space<vmem>>
    %dma_wait3A_221 = tpu.memref_squeeze %dma_wait3A_220 : memref<1x128x128xi32, #tpu.memory_space<vmem>> -> memref<128x128xi32, #tpu.memory_space<vmem>>
    %dma_wait3A_222 = arith.constant 0 : i32
    %dma_wait3A_223 = tpu.memref_slice %arg8[%dma_wait3A_216, %dma_wait3A_222] : memref<2x128xi32, #tpu.memory_space<vmem>> -> memref<1x128xi32, #tpu.memory_space<vmem>>
    %dma_wait3A_224 = tpu.memref_squeeze %dma_wait3A_223 : memref<1x128xi32, #tpu.memory_space<vmem>> -> memref<128xi32, #tpu.memory_space<vmem>>
    %dma_wait3A_225 = arith.constant 0 : i32
    %dma_wait3A_226 = arith.constant 0 : i32
    %dma_wait3A_227 = tpu.memref_slice %arg3[%dma_wait3A_225, %dma_wait3A_226] : memref<250000x128xi32, #tpu.memory_space<hbm>> -> memref<250000x128xi32, #tpu.memory_space<hbm>>
    tpu.wait_indirect_dma semaphore(%arg11 : memref<!tpu.dma_semaphore, #tpu.memory_space<semaphore_mem>>) src(%dma_wait3A_227 : memref<250000x128xi32, #tpu.memory_space<hbm>>) dst(%dma_wait3A_221 : memref<128x128xi32, #tpu.memory_space<vmem>>)
    %mul3A_228 = arith.constant 128 : i32
    %mul3A_229 = arith.muli %add3A_215, %mul3A_228 : i32
    %run_scoped3A_230 = arith.constant 1 : i32
    "tpu.region"() ({
      %run_scoped3A_286 = tpu.sem_alloc : memref<!tpu.dma_semaphore, #tpu.memory_space<semaphore_mem>>
      %dma_start3A_287 = arith.constant 0 : i32
      %dma_start3A_288 = arith.constant 0 : i32
      %dma_start3A_289 = tpu.memref_slice %arg9[%run_scoped3A_230, %dma_start3A_287, %dma_start3A_288] : memref<2x128x128xi32, #tpu.memory_space<vmem>> -> memref<1x128x128xi32, #tpu.memory_space<vmem>>
      %dma_start3A_290 = tpu.memref_squeeze %dma_start3A_289 : memref<1x128x128xi32, #tpu.memory_space<vmem>> -> memref<128x128xi32, #tpu.memory_space<vmem>>
      %dma_start3A_291 = arith.constant 0 : i32
      %dma_start3A_292 = tpu.memref_slice %arg7[%mul3A_229, %dma_start3A_291] : memref<16384x128xi32, #tpu.memory_space<hbm>> -> memref<128x128xi32, #tpu.memory_space<hbm>>
      %dma_start3A_293 = arith.constant 0 : i32
      %dma_start3A_294 = tpu.memref_slice %arg7[%mul3A_229, %dma_start3A_293] : memref<16384x128xi32, #tpu.memory_space<hbm>> -> memref<128x128xi32, #tpu.memory_space<hbm>>
      %dma_start3A_295 = arith.constant 0 : i32
      %dma_start3A_296 = arith.constant 0 : i32
      %dma_start3A_297 = tpu.memref_slice %arg9[%run_scoped3A_230, %dma_start3A_295, %dma_start3A_296] : memref<2x128x128xi32, #tpu.memory_space<vmem>> -> memref<1x128x128xi32, #tpu.memory_space<vmem>>
      %dma_start3A_298 = tpu.memref_squeeze %dma_start3A_297 : memref<1x128x128xi32, #tpu.memory_space<vmem>> -> memref<128x128xi32, #tpu.memory_space<vmem>>
      tpu.enqueue_dma source(%dma_start3A_298 : memref<128x128xi32, #tpu.memory_space<vmem>>) target(%dma_start3A_294 : memref<128x128xi32, #tpu.memory_space<hbm>>) target_semaphore(%run_scoped3A_286 : memref<!tpu.dma_semaphore, #tpu.memory_space<semaphore_mem>>)
      %dma_wait3A_299 = arith.constant 0 : i32
      %dma_wait3A_300 = arith.constant 0 : i32
      %dma_wait3A_301 = tpu.memref_slice %arg9[%run_scoped3A_230, %dma_wait3A_299, %dma_wait3A_300] : memref<2x128x128xi32, #tpu.memory_space<vmem>> -> memref<1x128x128xi32, #tpu.memory_space<vmem>>
      %dma_wait3A_302 = tpu.memref_squeeze %dma_wait3A_301 : memref<1x128x128xi32, #tpu.memory_space<vmem>> -> memref<128x128xi32, #tpu.memory_space<vmem>>
      %dma_wait3A_303 = arith.constant 0 : i32
      %dma_wait3A_304 = tpu.memref_slice %arg7[%mul3A_229, %dma_wait3A_303] : memref<16384x128xi32, #tpu.memory_space<hbm>> -> memref<128x128xi32, #tpu.memory_space<hbm>>
      %dma_wait3A_305 = arith.constant 0 : i32
      %dma_wait3A_306 = tpu.memref_slice %arg7[%mul3A_229, %dma_wait3A_305] : memref<16384x128xi32, #tpu.memory_space<hbm>> -> memref<128x128xi32, #tpu.memory_space<hbm>>
      %dma_wait3A_307 = arith.constant 0 : i32
      %dma_wait3A_308 = arith.constant 0 : i32
      %dma_wait3A_309 = tpu.memref_slice %arg9[%run_scoped3A_230, %dma_wait3A_307, %dma_wait3A_308] : memref<2x128x128xi32, #tpu.memory_space<vmem>> -> memref<1x128x128xi32, #tpu.memory_space<vmem>>
      %dma_wait3A_310 = tpu.memref_squeeze %dma_wait3A_309 : memref<1x128x128xi32, #tpu.memory_space<vmem>> -> memref<128x128xi32, #tpu.memory_space<vmem>>
      tpu.wait_dma2 semaphore(%run_scoped3A_286 : memref<!tpu.dma_semaphore, #tpu.memory_space<semaphore_mem>>) src(%dma_wait3A_310 : memref<128x128xi32, #tpu.memory_space<vmem>>) dst(%dma_wait3A_306 : memref<128x128xi32, #tpu.memory_space<hbm>>)
      tpu.yield
    }) : () -> ()
    %mul3A_231 = arith.constant 4 : i32
    %mul3A_232 = arith.muli %add3A, %mul3A_231 : i32
    %add3A_233 = arith.constant 3 : i32
    %add3A_234 = arith.addi %mul3A_232, %add3A_233 : i32
    %run_scoped3A_235 = arith.constant 1 : i32
    "tpu.region"() ({
      %run_scoped3A_286 = tpu.sem_alloc : memref<!tpu.dma_semaphore, #tpu.memory_space<semaphore_mem>>
      %dma_start3A_287 = arith.constant 0 : i32
      %dma_start3A_288 = tpu.memref_slice %arg8[%run_scoped3A_235, %dma_start3A_287] : memref<2x128xi32, #tpu.memory_space<vmem>> -> memref<1x128xi32, #tpu.memory_space<vmem>>
      %dma_start3A_289 = tpu.memref_squeeze %dma_start3A_288 : memref<1x128xi32, #tpu.memory_space<vmem>> -> memref<128xi32, #tpu.memory_space<vmem>>
      %dma_start3A_290 = arith.constant 0 : i32
      %dma_start3A_291 = tpu.memref_slice %arg5[%add3A_234, %dma_start3A_290] : memref<128x128xi32, #tpu.memory_space<hbm>> -> memref<1x128xi32, #tpu.memory_space<hbm>>
      %dma_start3A_292 = tpu.memref_squeeze %dma_start3A_291 : memref<1x128xi32, #tpu.memory_space<hbm>> -> memref<128xi32, #tpu.memory_space<hbm>>
      %dma_start3A_293 = arith.constant 0 : i32
      %dma_start3A_294 = tpu.memref_slice %arg8[%run_scoped3A_235, %dma_start3A_293] : memref<2x128xi32, #tpu.memory_space<vmem>> -> memref<1x128xi32, #tpu.memory_space<vmem>>
      %dma_start3A_295 = tpu.memref_squeeze %dma_start3A_294 : memref<1x128xi32, #tpu.memory_space<vmem>> -> memref<128xi32, #tpu.memory_space<vmem>>
      %dma_start3A_296 = arith.constant 0 : i32
      %dma_start3A_297 = tpu.memref_slice %arg5[%add3A_234, %dma_start3A_296] : memref<128x128xi32, #tpu.memory_space<hbm>> -> memref<1x128xi32, #tpu.memory_space<hbm>>
      %dma_start3A_298 = tpu.memref_squeeze %dma_start3A_297 : memref<1x128xi32, #tpu.memory_space<hbm>> -> memref<128xi32, #tpu.memory_space<hbm>>
      tpu.enqueue_dma source(%dma_start3A_298 : memref<128xi32, #tpu.memory_space<hbm>>) target(%dma_start3A_295 : memref<128xi32, #tpu.memory_space<vmem>>) target_semaphore(%run_scoped3A_286 : memref<!tpu.dma_semaphore, #tpu.memory_space<semaphore_mem>>)
      %dma_wait3A_299 = arith.constant 0 : i32
      %dma_wait3A_300 = tpu.memref_slice %arg8[%run_scoped3A_235, %dma_wait3A_299] : memref<2x128xi32, #tpu.memory_space<vmem>> -> memref<1x128xi32, #tpu.memory_space<vmem>>
      %dma_wait3A_301 = tpu.memref_squeeze %dma_wait3A_300 : memref<1x128xi32, #tpu.memory_space<vmem>> -> memref<128xi32, #tpu.memory_space<vmem>>
      %dma_wait3A_302 = arith.constant 0 : i32
      %dma_wait3A_303 = tpu.memref_slice %arg5[%add3A_234, %dma_wait3A_302] : memref<128x128xi32, #tpu.memory_space<hbm>> -> memref<1x128xi32, #tpu.memory_space<hbm>>
      %dma_wait3A_304 = tpu.memref_squeeze %dma_wait3A_303 : memref<1x128xi32, #tpu.memory_space<hbm>> -> memref<128xi32, #tpu.memory_space<hbm>>
      %dma_wait3A_305 = arith.constant 0 : i32
      %dma_wait3A_306 = tpu.memref_slice %arg8[%run_scoped3A_235, %dma_wait3A_305] : memref<2x128xi32, #tpu.memory_space<vmem>> -> memref<1x128xi32, #tpu.memory_space<vmem>>
      %dma_wait3A_307 = tpu.memref_squeeze %dma_wait3A_306 : memref<1x128xi32, #tpu.memory_space<vmem>> -> memref<128xi32, #tpu.memory_space<vmem>>
      %dma_wait3A_308 = arith.constant 0 : i32
      %dma_wait3A_309 = tpu.memref_slice %arg5[%add3A_234, %dma_wait3A_308] : memref<128x128xi32, #tpu.memory_space<hbm>> -> memref<1x128xi32, #tpu.memory_space<hbm>>
      %dma_wait3A_310 = tpu.memref_squeeze %dma_wait3A_309 : memref<1x128xi32, #tpu.memory_space<hbm>> -> memref<128xi32, #tpu.memory_space<hbm>>
      tpu.wait_dma2 semaphore(%run_scoped3A_286 : memref<!tpu.dma_semaphore, #tpu.memory_space<semaphore_mem>>) src(%dma_wait3A_310 : memref<128xi32, #tpu.memory_space<hbm>>) dst(%dma_wait3A_307 : memref<128xi32, #tpu.memory_space<vmem>>)
      tpu.yield
    }) : () -> ()
    %dma_start3A_236 = arith.constant 1 : i32
    %dma_start3A_237 = arith.constant 1 : i32
    %dma_start3A_238 = arith.constant 0 : i32
    %dma_start3A_239 = arith.constant 0 : i32
    %dma_start3A_240 = tpu.memref_slice %arg9[%dma_start3A_237, %dma_start3A_238, %dma_start3A_239] : memref<2x128x128xi32, #tpu.memory_space<vmem>> -> memref<1x128x128xi32, #tpu.memory_space<vmem>>
    %dma_start3A_241 = tpu.memref_squeeze %dma_start3A_240 : memref<1x128x128xi32, #tpu.memory_space<vmem>> -> memref<128x128xi32, #tpu.memory_space<vmem>>
    %dma_start3A_242 = arith.constant 0 : i32
    %dma_start3A_243 = tpu.memref_slice %arg8[%dma_start3A_236, %dma_start3A_242] : memref<2x128xi32, #tpu.memory_space<vmem>> -> memref<1x128xi32, #tpu.memory_space<vmem>>
    %dma_start3A_244 = tpu.memref_squeeze %dma_start3A_243 : memref<1x128xi32, #tpu.memory_space<vmem>> -> memref<128xi32, #tpu.memory_space<vmem>>
    %dma_start3A_245 = arith.constant 0 : i32
    %dma_start3A_246 = arith.constant 0 : i32
    %dma_start3A_247 = tpu.memref_slice %arg3[%dma_start3A_245, %dma_start3A_246] : memref<250000x128xi32, #tpu.memory_space<hbm>> -> memref<250000x128xi32, #tpu.memory_space<hbm>>
    tpu.enqueue_indirect_dma source(%dma_start3A_247 : memref<250000x128xi32, #tpu.memory_space<hbm>>) target(%dma_start3A_241 : memref<128x128xi32, #tpu.memory_space<vmem>>) offsets(%dma_start3A_244 : memref<128xi32, #tpu.memory_space<vmem>>) semaphore(%arg11 : memref<!tpu.dma_semaphore, #tpu.memory_space<semaphore_mem>>)
    %mul3A_248 = arith.constant 4 : i32
    %mul3A_249 = arith.muli %add3A, %mul3A_248 : i32
    %add3A_250 = arith.constant 2 : i32
    %add3A_251 = arith.addi %mul3A_249, %add3A_250 : i32
    %dma_wait3A_252 = arith.constant 0 : i32
    %dma_wait3A_253 = arith.constant 0 : i32
    %dma_wait3A_254 = arith.constant 0 : i32
    %dma_wait3A_255 = arith.constant 0 : i32
    %dma_wait3A_256 = tpu.memref_slice %arg9[%dma_wait3A_253, %dma_wait3A_254, %dma_wait3A_255] : memref<2x128x128xi32, #tpu.memory_space<vmem>> -> memref<1x128x128xi32, #tpu.memory_space<vmem>>
    %dma_wait3A_257 = tpu.memref_squeeze %dma_wait3A_256 : memref<1x128x128xi32, #tpu.memory_space<vmem>> -> memref<128x128xi32, #tpu.memory_space<vmem>>
    %dma_wait3A_258 = arith.constant 0 : i32
    %dma_wait3A_259 = tpu.memref_slice %arg8[%dma_wait3A_252, %dma_wait3A_258] : memref<2x128xi32, #tpu.memory_space<vmem>> -> memref<1x128xi32, #tpu.memory_space<vmem>>
    %dma_wait3A_260 = tpu.memref_squeeze %dma_wait3A_259 : memref<1x128xi32, #tpu.memory_space<vmem>> -> memref<128xi32, #tpu.memory_space<vmem>>
    %dma_wait3A_261 = arith.constant 0 : i32
    %dma_wait3A_262 = arith.constant 0 : i32
    %dma_wait3A_263 = tpu.memref_slice %arg3[%dma_wait3A_261, %dma_wait3A_262] : memref<250000x128xi32, #tpu.memory_space<hbm>> -> memref<250000x128xi32, #tpu.memory_space<hbm>>
    tpu.wait_indirect_dma semaphore(%arg10 : memref<!tpu.dma_semaphore, #tpu.memory_space<semaphore_mem>>) src(%dma_wait3A_263 : memref<250000x128xi32, #tpu.memory_space<hbm>>) dst(%dma_wait3A_257 : memref<128x128xi32, #tpu.memory_space<vmem>>)
    %mul3A_264 = arith.constant 128 : i32
    %mul3A_265 = arith.muli %add3A_251, %mul3A_264 : i32
    %run_scoped3A_266 = arith.constant 0 : i32
    "tpu.region"() ({
      %run_scoped3A_286 = tpu.sem_alloc : memref<!tpu.dma_semaphore, #tpu.memory_space<semaphore_mem>>
      %dma_start3A_287 = arith.constant 0 : i32
      %dma_start3A_288 = arith.constant 0 : i32
      %dma_start3A_289 = tpu.memref_slice %arg9[%run_scoped3A_266, %dma_start3A_287, %dma_start3A_288] : memref<2x128x128xi32, #tpu.memory_space<vmem>> -> memref<1x128x128xi32, #tpu.memory_space<vmem>>
      %dma_start3A_290 = tpu.memref_squeeze %dma_start3A_289 : memref<1x128x128xi32, #tpu.memory_space<vmem>> -> memref<128x128xi32, #tpu.memory_space<vmem>>
      %dma_start3A_291 = arith.constant 0 : i32
      %dma_start3A_292 = tpu.memref_slice %arg7[%mul3A_265, %dma_start3A_291] : memref<16384x128xi32, #tpu.memory_space<hbm>> -> memref<128x128xi32, #tpu.memory_space<hbm>>
      %dma_start3A_293 = arith.constant 0 : i32
      %dma_start3A_294 = tpu.memref_slice %arg7[%mul3A_265, %dma_start3A_293] : memref<16384x128xi32, #tpu.memory_space<hbm>> -> memref<128x128xi32, #tpu.memory_space<hbm>>
      %dma_start3A_295 = arith.constant 0 : i32
      %dma_start3A_296 = arith.constant 0 : i32
      %dma_start3A_297 = tpu.memref_slice %arg9[%run_scoped3A_266, %dma_start3A_295, %dma_start3A_296] : memref<2x128x128xi32, #tpu.memory_space<vmem>> -> memref<1x128x128xi32, #tpu.memory_space<vmem>>
      %dma_start3A_298 = tpu.memref_squeeze %dma_start3A_297 : memref<1x128x128xi32, #tpu.memory_space<vmem>> -> memref<128x128xi32, #tpu.memory_space<vmem>>
      tpu.enqueue_dma source(%dma_start3A_298 : memref<128x128xi32, #tpu.memory_space<vmem>>) target(%dma_start3A_294 : memref<128x128xi32, #tpu.memory_space<hbm>>) target_semaphore(%run_scoped3A_286 : memref<!tpu.dma_semaphore, #tpu.memory_space<semaphore_mem>>)
      %dma_wait3A_299 = arith.constant 0 : i32
      %dma_wait3A_300 = arith.constant 0 : i32
      %dma_wait3A_301 = tpu.memref_slice %arg9[%run_scoped3A_266, %dma_wait3A_299, %dma_wait3A_300] : memref<2x128x128xi32, #tpu.memory_space<vmem>> -> memref<1x128x128xi32, #tpu.memory_space<vmem>>
      %dma_wait3A_302 = tpu.memref_squeeze %dma_wait3A_301 : memref<1x128x128xi32, #tpu.memory_space<vmem>> -> memref<128x128xi32, #tpu.memory_space<vmem>>
      %dma_wait3A_303 = arith.constant 0 : i32
      %dma_wait3A_304 = tpu.memref_slice %arg7[%mul3A_265, %dma_wait3A_303] : memref<16384x128xi32, #tpu.memory_space<hbm>> -> memref<128x128xi32, #tpu.memory_space<hbm>>
      %dma_wait3A_305 = arith.constant 0 : i32
      %dma_wait3A_306 = tpu.memref_slice %arg7[%mul3A_265, %dma_wait3A_305] : memref<16384x128xi32, #tpu.memory_space<hbm>> -> memref<128x128xi32, #tpu.memory_space<hbm>>
      %dma_wait3A_307 = arith.constant 0 : i32
      %dma_wait3A_308 = arith.constant 0 : i32
      %dma_wait3A_309 = tpu.memref_slice %arg9[%run_scoped3A_266, %dma_wait3A_307, %dma_wait3A_308] : memref<2x128x128xi32, #tpu.memory_space<vmem>> -> memref<1x128x128xi32, #tpu.memory_space<vmem>>
      %dma_wait3A_310 = tpu.memref_squeeze %dma_wait3A_309 : memref<1x128x128xi32, #tpu.memory_space<vmem>> -> memref<128x128xi32, #tpu.memory_space<vmem>>
      tpu.wait_dma2 semaphore(%run_scoped3A_286 : memref<!tpu.dma_semaphore, #tpu.memory_space<semaphore_mem>>) src(%dma_wait3A_310 : memref<128x128xi32, #tpu.memory_space<vmem>>) dst(%dma_wait3A_306 : memref<128x128xi32, #tpu.memory_space<hbm>>)
      tpu.yield
    }) : () -> ()
    %mul3A_267 = arith.constant 4 : i32
    %mul3A_268 = arith.muli %add3A, %mul3A_267 : i32
    %add3A_269 = arith.constant 3 : i32
    %add3A_270 = arith.addi %mul3A_268, %add3A_269 : i32
    %dma_wait3A_271 = arith.constant 1 : i32
    %dma_wait3A_272 = arith.constant 1 : i32
    %dma_wait3A_273 = arith.constant 0 : i32
    %dma_wait3A_274 = arith.constant 0 : i32
    %dma_wait3A_275 = tpu.memref_slice %arg9[%dma_wait3A_272, %dma_wait3A_273, %dma_wait3A_274] : memref<2x128x128xi32, #tpu.memory_space<vmem>> -> memref<1x128x128xi32, #tpu.memory_space<vmem>>
    %dma_wait3A_276 = tpu.memref_squeeze %dma_wait3A_275 : memref<1x128x128xi32, #tpu.memory_space<vmem>> -> memref<128x128xi32, #tpu.memory_space<vmem>>
    %dma_wait3A_277 = arith.constant 0 : i32
    %dma_wait3A_278 = tpu.memref_slice %arg8[%dma_wait3A_271, %dma_wait3A_277] : memref<2x128xi32, #tpu.memory_space<vmem>> -> memref<1x128xi32, #tpu.memory_space<vmem>>
    %dma_wait3A_279 = tpu.memref_squeeze %dma_wait3A_278 : memref<1x128xi32, #tpu.memory_space<vmem>> -> memref<128xi32, #tpu.memory_space<vmem>>
    %dma_wait3A_280 = arith.constant 0 : i32
    %dma_wait3A_281 = arith.constant 0 : i32
    %dma_wait3A_282 = tpu.memref_slice %arg3[%dma_wait3A_280, %dma_wait3A_281] : memref<250000x128xi32, #tpu.memory_space<hbm>> -> memref<250000x128xi32, #tpu.memory_space<hbm>>
    tpu.wait_indirect_dma semaphore(%arg11 : memref<!tpu.dma_semaphore, #tpu.memory_space<semaphore_mem>>) src(%dma_wait3A_282 : memref<250000x128xi32, #tpu.memory_space<hbm>>) dst(%dma_wait3A_276 : memref<128x128xi32, #tpu.memory_space<vmem>>)
    %mul3A_283 = arith.constant 128 : i32
    %mul3A_284 = arith.muli %add3A_270, %mul3A_283 : i32
    %run_scoped3A_285 = arith.constant 1 : i32
    "tpu.region"() ({
      %run_scoped3A_286 = tpu.sem_alloc : memref<!tpu.dma_semaphore, #tpu.memory_space<semaphore_mem>>
      %dma_start3A_287 = arith.constant 0 : i32
      %dma_start3A_288 = arith.constant 0 : i32
      %dma_start3A_289 = tpu.memref_slice %arg9[%run_scoped3A_285, %dma_start3A_287, %dma_start3A_288] : memref<2x128x128xi32, #tpu.memory_space<vmem>> -> memref<1x128x128xi32, #tpu.memory_space<vmem>>
      %dma_start3A_290 = tpu.memref_squeeze %dma_start3A_289 : memref<1x128x128xi32, #tpu.memory_space<vmem>> -> memref<128x128xi32, #tpu.memory_space<vmem>>
      %dma_start3A_291 = arith.constant 0 : i32
      %dma_start3A_292 = tpu.memref_slice %arg7[%mul3A_284, %dma_start3A_291] : memref<16384x128xi32, #tpu.memory_space<hbm>> -> memref<128x128xi32, #tpu.memory_space<hbm>>
      %dma_start3A_293 = arith.constant 0 : i32
      %dma_start3A_294 = tpu.memref_slice %arg7[%mul3A_284, %dma_start3A_293] : memref<16384x128xi32, #tpu.memory_space<hbm>> -> memref<128x128xi32, #tpu.memory_space<hbm>>
      %dma_start3A_295 = arith.constant 0 : i32
      %dma_start3A_296 = arith.constant 0 : i32
      %dma_start3A_297 = tpu.memref_slice %arg9[%run_scoped3A_285, %dma_start3A_295, %dma_start3A_296] : memref<2x128x128xi32, #tpu.memory_space<vmem>> -> memref<1x128x128xi32, #tpu.memory_space<vmem>>
      %dma_start3A_298 = tpu.memref_squeeze %dma_start3A_297 : memref<1x128x128xi32, #tpu.memory_space<vmem>> -> memref<128x128xi32, #tpu.memory_space<vmem>>
      tpu.enqueue_dma source(%dma_start3A_298 : memref<128x128xi32, #tpu.memory_space<vmem>>) target(%dma_start3A_294 : memref<128x128xi32, #tpu.memory_space<hbm>>) target_semaphore(%run_scoped3A_286 : memref<!tpu.dma_semaphore, #tpu.memory_space<semaphore_mem>>)
      %dma_wait3A_299 = arith.constant 0 : i32
      %dma_wait3A_300 = arith.constant 0 : i32
      %dma_wait3A_301 = tpu.memref_slice %arg9[%run_scoped3A_285, %dma_wait3A_299, %dma_wait3A_300] : memref<2x128x128xi32, #tpu.memory_space<vmem>> -> memref<1x128x128xi32, #tpu.memory_space<vmem>>
      %dma_wait3A_302 = tpu.memref_squeeze %dma_wait3A_301 : memref<1x128x128xi32, #tpu.memory_space<vmem>> -> memref<128x128xi32, #tpu.memory_space<vmem>>
      %dma_wait3A_303 = arith.constant 0 : i32
      %dma_wait3A_304 = tpu.memref_slice %arg7[%mul3A_284, %dma_wait3A_303] : memref<16384x128xi32, #tpu.memory_space<hbm>> -> memref<128x128xi32, #tpu.memory_space<hbm>>
      %dma_wait3A_305 = arith.constant 0 : i32
      %dma_wait3A_306 = tpu.memref_slice %arg7[%mul3A_284, %dma_wait3A_305] : memref<16384x128xi32, #tpu.memory_space<hbm>> -> memref<128x128xi32, #tpu.memory_space<hbm>>
      %dma_wait3A_307 = arith.constant 0 : i32
      %dma_wait3A_308 = arith.constant 0 : i32
      %dma_wait3A_309 = tpu.memref_slice %arg9[%run_scoped3A_285, %dma_wait3A_307, %dma_wait3A_308] : memref<2x128x128xi32, #tpu.memory_space<vmem>> -> memref<1x128x128xi32, #tpu.memory_space<vmem>>
      %dma_wait3A_310 = tpu.memref_squeeze %dma_wait3A_309 : memref<1x128x128xi32, #tpu.memory_space<vmem>> -> memref<128x128xi32, #tpu.memory_space<vmem>>
      tpu.wait_dma2 semaphore(%run_scoped3A_286 : memref<!tpu.dma_semaphore, #tpu.memory_space<semaphore_mem>>) src(%dma_wait3A_310 : memref<128x128xi32, #tpu.memory_space<vmem>>) dst(%dma_wait3A_306 : memref<128x128xi32, #tpu.memory_space<hbm>>)
      tpu.yield
    }) : () -> ()
    return
  }
}

module attributes {stable_mosaic.version = 14 : i64} {
  func.func @_pack_body(%arg0: i32, %arg1: memref<64x2048xf32, #tpu.memory_space<vmem>>, %arg2: memref<64x64xf32, #tpu.memory_space<vmem>>, %arg3: memref<512x128xi32, #tpu.memory_space<vmem>>) attributes {dimension_semantics = [#tpu.dimension_semantics<arbitrary>], iteration_bounds = array<i64: 489>, scalar_prefetch = 0 : i64, scratch_operands = 0 : i64, tpu.core_type = #tpu.core_type<tc>, window_params = [{transform_indices = @transform_0, window_bounds = array<i64: 64, 2048>}, {pipeline_mode = #tpu.pipeline_mode<synchronous>, transform_indices = @transform_1, window_bounds = array<i64: 64, 64>}, {transform_indices = @transform_2, window_bounds = array<i64: 512, 128>}]} {
    %get3A = arith.constant 0 : index
    %get3A_0 = arith.constant 0 : index
    %get3A_1 = vector.load %arg1[%get3A, %get3A_0] : memref<64x2048xf32, #tpu.memory_space<vmem>>, vector<64x2048xf32>
    %transpose3A = tpu.transpose %get3A_1, [1, 0] : vector<64x2048xf32> -> vector<2048x64xf32>
    %bitcast_convert_type3A = tpu.bitcast %transpose3A : vector<2048x64xf32> -> vector<2048x64xi32>
    %add3A = arith.constant 32767 : i32
    %add3A_2 = vector.broadcast %add3A : i32 to vector<2048x64xi32>
    %add3A_3 = arith.addi %bitcast_convert_type3A, %add3A_2 : vector<2048x64xi32>
    %shift_right_arithmetic3A = arith.constant 16 : i32
    %shift_right_arithmetic3A_4 = vector.broadcast %shift_right_arithmetic3A : i32 to vector<2048x64xi32>
    %shift_right_arithmetic3A_5 = arith.shrsi %bitcast_convert_type3A, %shift_right_arithmetic3A_4 : vector<2048x64xi32>
    %and3A = arith.constant 1 : i32
    %and3A_6 = vector.broadcast %and3A : i32 to vector<2048x64xi32>
    %and3A_7 = arith.andi %shift_right_arithmetic3A_5, %and3A_6 : vector<2048x64xi32>
    %add3A_8 = arith.addi %add3A_3, %and3A_7 : vector<2048x64xi32>
    %shift_right_arithmetic3A_9 = arith.constant 16 : i32
    %shift_right_arithmetic3A_10 = vector.broadcast %shift_right_arithmetic3A_9 : i32 to vector<2048x64xi32>
    %shift_right_arithmetic3A_11 = arith.shrsi %add3A_8, %shift_right_arithmetic3A_10 : vector<2048x64xi32>
    %slice3A = vector.extract_strided_slice %shift_right_arithmetic3A_11 {offsets = [0, 32], sizes = [2048, 32], strides = [1, 1]} : vector<2048x64xi32> to vector<2048x32xi32>
    %shift_left3A = arith.constant 16 : i32
    %shift_left3A_12 = vector.broadcast %shift_left3A : i32 to vector<2048x32xi32>
    %shift_left3A_13 = arith.shli %slice3A, %shift_left3A_12 : vector<2048x32xi32>
    %slice3A_14 = vector.extract_strided_slice %shift_right_arithmetic3A_11 {offsets = [0, 0], sizes = [2048, 32], strides = [1, 1]} : vector<2048x64xi32> to vector<2048x32xi32>
    %and3A_15 = arith.constant 65535 : i32
    %and3A_16 = vector.broadcast %and3A_15 : i32 to vector<2048x32xi32>
    %and3A_17 = arith.andi %slice3A_14, %and3A_16 : vector<2048x32xi32>
    %or3A = arith.ori %shift_left3A_13, %and3A_17 : vector<2048x32xi32>
    %lt3A = arith.constant 488 : i32
    %lt3A_18 = arith.cmpi slt, %arg0, %lt3A : i32
    %convert_element_type3A = arith.extui %lt3A_18 : i1 to i32
    %cond3A = arith.constant 0 : i32
    %cond3A_19 = arith.cmpi ne, %convert_element_type3A, %cond3A : i32
    scf.if %cond3A_19 {
      %slice3A_24 = vector.extract_strided_slice %or3A {offsets = [0, 0], sizes = [512, 32], strides = [1, 1]} : vector<2048x32xi32> to vector<512x32xi32>
      %swap3A = arith.constant 0 : index
      %swap3A_25 = arith.constant 0 : index
      %swap3A_26 = vector.load %arg3[%swap3A, %swap3A_25] : memref<512x128xi32, #tpu.memory_space<vmem>>, vector<512x32xi32>
      tpu.vector_store %arg3[%swap3A, %swap3A_25], %slice3A_24 {strides = array<i32>} : memref<512x128xi32, #tpu.memory_space<vmem>>, vector<512x32xi32>,
      %slice3A_27 = vector.extract_strided_slice %or3A {offsets = [512, 0], sizes = [512, 32], strides = [1, 1]} : vector<2048x32xi32> to vector<512x32xi32>
      %swap3A_28 = arith.constant 0 : index
      %swap3A_29 = arith.constant 32 : index
      %swap3A_30 = vector.load %arg3[%swap3A_28, %swap3A_29] : memref<512x128xi32, #tpu.memory_space<vmem>>, vector<512x32xi32>
      tpu.vector_store %arg3[%swap3A_28, %swap3A_29], %slice3A_27 {strides = array<i32>} : memref<512x128xi32, #tpu.memory_space<vmem>>, vector<512x32xi32>,
      %slice3A_31 = vector.extract_strided_slice %or3A {offsets = [1024, 0], sizes = [512, 32], strides = [1, 1]} : vector<2048x32xi32> to vector<512x32xi32>
      %swap3A_32 = arith.constant 0 : index
      %swap3A_33 = arith.constant 64 : index
      %swap3A_34 = vector.load %arg3[%swap3A_32, %swap3A_33] : memref<512x128xi32, #tpu.memory_space<vmem>>, vector<512x32xi32>
      tpu.vector_store %arg3[%swap3A_32, %swap3A_33], %slice3A_31 {strides = array<i32>} : memref<512x128xi32, #tpu.memory_space<vmem>>, vector<512x32xi32>,
      %slice3A_35 = vector.extract_strided_slice %or3A {offsets = [1536, 0], sizes = [512, 32], strides = [1, 1]} : vector<2048x32xi32> to vector<512x32xi32>
      %swap3A_36 = arith.constant 0 : index
      %swap3A_37 = arith.constant 96 : index
      %swap3A_38 = vector.load %arg3[%swap3A_36, %swap3A_37] : memref<512x128xi32, #tpu.memory_space<vmem>>, vector<512x32xi32>
      tpu.vector_store %arg3[%swap3A_36, %swap3A_37], %slice3A_35 {strides = array<i32>} : memref<512x128xi32, #tpu.memory_space<vmem>>, vector<512x32xi32>,
    } else {
    }
    %eq3A = arith.constant 488 : i32
    %eq3A_20 = arith.cmpi eq, %arg0, %eq3A : i32
    %convert_element_type3A_21 = arith.extui %eq3A_20 : i1 to i32
    %cond3A_22 = arith.constant 0 : i32
    %cond3A_23 = arith.cmpi ne, %convert_element_type3A_21, %cond3A_22 : i32
    scf.if %cond3A_23 {
      %slice3A_24 = vector.extract_strided_slice %or3A {offsets = [0, 0], sizes = [144, 32], strides = [1, 1]} : vector<2048x32xi32> to vector<144x32xi32>
      %swap3A = arith.constant 0 : index
      %swap3A_25 = arith.constant 0 : index
      %swap3A_26 = vector.load %arg3[%swap3A, %swap3A_25] : memref<512x128xi32, #tpu.memory_space<vmem>>, vector<144x32xi32>
      tpu.vector_store %arg3[%swap3A, %swap3A_25], %slice3A_24 {strides = array<i32>} : memref<512x128xi32, #tpu.memory_space<vmem>>, vector<144x32xi32>,
      %slice3A_27 = vector.extract_strided_slice %or3A {offsets = [144, 0], sizes = [144, 32], strides = [1, 1]} : vector<2048x32xi32> to vector<144x32xi32>
      %swap3A_28 = arith.constant 0 : index
      %swap3A_29 = arith.constant 32 : index
      %swap3A_30 = vector.load %arg3[%swap3A_28, %swap3A_29] : memref<512x128xi32, #tpu.memory_space<vmem>>, vector<144x32xi32>
      tpu.vector_store %arg3[%swap3A_28, %swap3A_29], %slice3A_27 {strides = array<i32>} : memref<512x128xi32, #tpu.memory_space<vmem>>, vector<144x32xi32>,
      %slice3A_31 = vector.extract_strided_slice %or3A {offsets = [288, 0], sizes = [144, 32], strides = [1, 1]} : vector<2048x32xi32> to vector<144x32xi32>
      %swap3A_32 = arith.constant 0 : index
      %swap3A_33 = arith.constant 64 : index
      %swap3A_34 = vector.load %arg3[%swap3A_32, %swap3A_33] : memref<512x128xi32, #tpu.memory_space<vmem>>, vector<144x32xi32>
      tpu.vector_store %arg3[%swap3A_32, %swap3A_33], %slice3A_31 {strides = array<i32>} : memref<512x128xi32, #tpu.memory_space<vmem>>, vector<144x32xi32>,
      %slice3A_35 = vector.extract_strided_slice %or3A {offsets = [432, 0], sizes = [144, 32], strides = [1, 1]} : vector<2048x32xi32> to vector<144x32xi32>
      %swap3A_36 = arith.constant 0 : index
      %swap3A_37 = arith.constant 96 : index
      %swap3A_38 = vector.load %arg3[%swap3A_36, %swap3A_37] : memref<512x128xi32, #tpu.memory_space<vmem>>, vector<144x32xi32>
      tpu.vector_store %arg3[%swap3A_36, %swap3A_37], %slice3A_35 {strides = array<i32>} : memref<512x128xi32, #tpu.memory_space<vmem>>, vector<144x32xi32>,
    } else {
    }
    return
  }
  func.func @transform_0(%arg0: i32) -> (i32, i32) {
    %c0_i32 = arith.constant 0 : i32
    %c0_i32_0 = arith.constant 0 : i32
    return %c0_i32, %arg0 : i32, i32
  }
  func.func @transform_1(%arg0: i32) -> (i32, i32) {
    %c0_i32 = arith.constant 0 : i32
    %c0_i32_0 = arith.constant 0 : i32
    %c0_i32_1 = arith.constant 0 : i32
    return %c0_i32, %c0_i32_0 : i32, i32
  }
  func.func @transform_2(%arg0: i32) -> (i32, i32) {
    %c0_i32 = arith.constant 0 : i32
    %c0_i32_0 = arith.constant 0 : i32
    return %arg0, %c0_i32 : i32, i32
  }
}

module attributes {stable_mosaic.version = 14 : i64} {
  func.func @_mlp_body(%arg0: i32, %arg1: memref<2048x128xi32, #tpu.memory_space<vmem>>, %arg2: memref<2048x128xi32, #tpu.memory_space<vmem>>, %arg3: memref<2048x1xi32, #tpu.memory_space<vmem>>, %arg4: memref<2048x1xi32, #tpu.memory_space<vmem>>, %arg5: memref<32x128xf32, #tpu.memory_space<vmem>>, %arg6: memref<32x128xf32, #tpu.memory_space<vmem>>, %arg7: memref<32x128xf32, #tpu.memory_space<vmem>>, %arg8: memref<32x128xf32, #tpu.memory_space<vmem>>, %arg9: memref<1x128xf32, #tpu.memory_space<vmem>>, %arg10: memref<1x128xf32, #tpu.memory_space<vmem>>, %arg11: memref<1x128xf32, #tpu.memory_space<vmem>>, %arg12: memref<128x64xf32, #tpu.memory_space<vmem>>, %arg13: memref<1x64xf32, #tpu.memory_space<vmem>>, %arg14: memref<1x64xf32, #tpu.memory_space<vmem>>, %arg15: memref<1x64xf32, #tpu.memory_space<vmem>>, %arg16: memref<64x32xf32, #tpu.memory_space<vmem>>, %arg17: memref<1x32xf32, #tpu.memory_space<vmem>>, %arg18: memref<1x32xf32, #tpu.memory_space<vmem>>, %arg19: memref<1x32xf32, #tpu.memory_space<vmem>>, %arg20: memref<32x1xf32, #tpu.memory_space<vmem>>, %arg21: memref<1x1xf32, #tpu.memory_space<vmem>>, %arg22: memref<2048x1xf32, #tpu.memory_space<vmem>>) attributes {dimension_semantics = [#tpu.dimension_semantics<arbitrary>], iteration_bounds = array<i64: 8>, scalar_prefetch = 0 : i64, scratch_operands = 0 : i64, tpu.core_type = #tpu.core_type<tc>, window_params = [{transform_indices = @transform_0, window_bounds = array<i64: 2048, 128>}, {transform_indices = @transform_1, window_bounds = array<i64: 2048, 128>}, {transform_indices = @transform_2, window_bounds = array<i64: 2048, 1>}, {transform_indices = @transform_3, window_bounds = array<i64: 2048, 1>}, {pipeline_mode = #tpu.pipeline_mode<synchronous>, transform_indices = @transform_4, window_bounds = array<i64: 32, 128>}, {pipeline_mode = #tpu.pipeline_mode<synchronous>, transform_indices = @transform_5, window_bounds = array<i64: 32, 128>}, {pipeline_mode = #tpu.pipeline_mode<synchronous>, transform_indices = @transform_6, window_bounds = array<i64: 32, 128>}, {pipeline_mode = #tpu.pipeline_mode<synchronous>, transform_indices = @transform_7, window_bounds = array<i64: 32, 128>}, {pipeline_mode = #tpu.pipeline_mode<synchronous>, transform_indices = @transform_8, window_bounds = array<i64: 1, 128>}, {pipeline_mode = #tpu.pipeline_mode<synchronous>, transform_indices = @transform_9, window_bounds = array<i64: 1, 128>}, {pipeline_mode = #tpu.pipeline_mode<synchronous>, transform_indices = @transform_10, window_bounds = array<i64: 1, 128>}, {pipeline_mode = #tpu.pipeline_mode<synchronous>, transform_indices = @transform_11, window_bounds = array<i64: 128, 64>}, {pipeline_mode = #tpu.pipeline_mode<synchronous>, transform_indices = @transform_12, window_bounds = array<i64: 1, 64>}, {pipeline_mode = #tpu.pipeline_mode<synchronous>, transform_indices = @transform_13, window_bounds = array<i64: 1, 64>}, {pipeline_mode = #tpu.pipeline_mode<synchronous>, transform_indices = @transform_14, window_bounds = array<i64: 1, 64>}, {pipeline_mode = #tpu.pipeline_mode<synchronous>, transform_indices = @transform_15, window_bounds = array<i64: 64, 32>}, {pipeline_mode = #tpu.pipeline_mode<synchronous>, transform_indices = @transform_16, window_bounds = array<i64: 1, 32>}, {pipeline_mode = #tpu.pipeline_mode<synchronous>, transform_indices = @transform_17, window_bounds = array<i64: 1, 32>}, {pipeline_mode = #tpu.pipeline_mode<synchronous>, transform_indices = @transform_18, window_bounds = array<i64: 1, 32>}, {pipeline_mode = #tpu.pipeline_mode<synchronous>, transform_indices = @transform_19, window_bounds = array<i64: 32, 1>}, {pipeline_mode = #tpu.pipeline_mode<synchronous>, transform_indices = @transform_20, window_bounds = array<i64: 1, 1>}, {transform_indices = @transform_21, window_bounds = array<i64: 2048, 1>}]} {
    %get3A = arith.constant 0 : index
    %get3A_0 = arith.constant 0 : index
    %get3A_1 = vector.load %arg3[%get3A, %get3A_0] : memref<2048x1xi32, #tpu.memory_space<vmem>>, vector<2048x1xi32>
    %lt3A = arith.constant 1 : i32
    %lt3A_2 = vector.broadcast %lt3A : i32 to vector<2048x1xi32>
    %lt3A_3 = arith.cmpi slt, %get3A_1, %lt3A_2 : vector<2048x1xi32>
    %get3A_4 = arith.constant 0 : index
    %get3A_5 = arith.constant 0 : index
    %get3A_6 = vector.load %arg1[%get3A_4, %get3A_5] : memref<2048x128xi32, #tpu.memory_space<vmem>>, vector<2048x32xi32>
    %get3A_7 = arith.constant 0 : index
    %get3A_8 = arith.constant 32 : index
    %get3A_9 = vector.load %arg1[%get3A_7, %get3A_8] : memref<2048x128xi32, #tpu.memory_space<vmem>>, vector<2048x32xi32>
    %broadcast_in_dim3A = vector.shape_cast %lt3A_3 : vector<2048x1xi1> to vector<2048x1xi1>
    %broadcast_in_dim3A_10 = vector.broadcast %broadcast_in_dim3A : vector<2048x1xi1> to vector<2048x32xi1>
    %select_n3A = arith.select %broadcast_in_dim3A_10, %get3A_6, %get3A_9 : vector<2048x32xi1>, vector<2048x32xi32>
    %lt3A_11 = arith.constant 3 : i32
    %lt3A_12 = vector.broadcast %lt3A_11 : i32 to vector<2048x1xi32>
    %lt3A_13 = arith.cmpi slt, %get3A_1, %lt3A_12 : vector<2048x1xi32>
    %get3A_14 = arith.constant 0 : index
    %get3A_15 = arith.constant 64 : index
    %get3A_16 = vector.load %arg1[%get3A_14, %get3A_15] : memref<2048x128xi32, #tpu.memory_space<vmem>>, vector<2048x32xi32>
    %get3A_17 = arith.constant 0 : index
    %get3A_18 = arith.constant 96 : index
    %get3A_19 = vector.load %arg1[%get3A_17, %get3A_18] : memref<2048x128xi32, #tpu.memory_space<vmem>>, vector<2048x32xi32>
    %broadcast_in_dim3A_20 = vector.shape_cast %lt3A_13 : vector<2048x1xi1> to vector<2048x1xi1>
    %broadcast_in_dim3A_21 = vector.broadcast %broadcast_in_dim3A_20 : vector<2048x1xi1> to vector<2048x32xi1>
    %select_n3A_22 = arith.select %broadcast_in_dim3A_21, %get3A_16, %get3A_19 : vector<2048x32xi1>, vector<2048x32xi32>
    %lt3A_23 = arith.constant 2 : i32
    %lt3A_24 = vector.broadcast %lt3A_23 : i32 to vector<2048x1xi32>
    %lt3A_25 = arith.cmpi slt, %get3A_1, %lt3A_24 : vector<2048x1xi32>
    %broadcast_in_dim3A_26 = vector.shape_cast %lt3A_25 : vector<2048x1xi1> to vector<2048x1xi1>
    %broadcast_in_dim3A_27 = vector.broadcast %broadcast_in_dim3A_26 : vector<2048x1xi1> to vector<2048x32xi1>
    %select_n3A_28 = arith.select %broadcast_in_dim3A_27, %select_n3A, %select_n3A_22 : vector<2048x32xi1>, vector<2048x32xi32>
    %shift_left3A = arith.constant 16 : i32
    %shift_left3A_29 = vector.broadcast %shift_left3A : i32 to vector<2048x32xi32>
    %shift_left3A_30 = arith.shli %select_n3A_28, %shift_left3A_29 : vector<2048x32xi32>
    %bitcast_convert_type3A = tpu.bitcast %shift_left3A_30 : vector<2048x32xi32> -> vector<2048x32xf32>
    %and3A = arith.constant -65536 : i32
    %and3A_31 = vector.broadcast %and3A : i32 to vector<2048x32xi32>
    %and3A_32 = arith.andi %select_n3A_28, %and3A_31 : vector<2048x32xi32>
    %bitcast_convert_type3A_33 = tpu.bitcast %and3A_32 : vector<2048x32xi32> -> vector<2048x32xf32>
    %get3A_34 = arith.constant 0 : index
    %get3A_35 = arith.constant 0 : index
    %get3A_36 = vector.load %arg4[%get3A_34, %get3A_35] : memref<2048x1xi32, #tpu.memory_space<vmem>>, vector<2048x1xi32>
    %lt3A_37 = arith.constant 1 : i32
    %lt3A_38 = vector.broadcast %lt3A_37 : i32 to vector<2048x1xi32>
    %lt3A_39 = arith.cmpi slt, %get3A_36, %lt3A_38 : vector<2048x1xi32>
    %get3A_40 = arith.constant 0 : index
    %get3A_41 = arith.constant 0 : index
    %get3A_42 = vector.load %arg2[%get3A_40, %get3A_41] : memref<2048x128xi32, #tpu.memory_space<vmem>>, vector<2048x32xi32>
    %get3A_43 = arith.constant 0 : index
    %get3A_44 = arith.constant 32 : index
    %get3A_45 = vector.load %arg2[%get3A_43, %get3A_44] : memref<2048x128xi32, #tpu.memory_space<vmem>>, vector<2048x32xi32>
    %broadcast_in_dim3A_46 = vector.shape_cast %lt3A_39 : vector<2048x1xi1> to vector<2048x1xi1>
    %broadcast_in_dim3A_47 = vector.broadcast %broadcast_in_dim3A_46 : vector<2048x1xi1> to vector<2048x32xi1>
    %select_n3A_48 = arith.select %broadcast_in_dim3A_47, %get3A_42, %get3A_45 : vector<2048x32xi1>, vector<2048x32xi32>
    %lt3A_49 = arith.constant 3 : i32
    %lt3A_50 = vector.broadcast %lt3A_49 : i32 to vector<2048x1xi32>
    %lt3A_51 = arith.cmpi slt, %get3A_36, %lt3A_50 : vector<2048x1xi32>
    %get3A_52 = arith.constant 0 : index
    %get3A_53 = arith.constant 64 : index
    %get3A_54 = vector.load %arg2[%get3A_52, %get3A_53] : memref<2048x128xi32, #tpu.memory_space<vmem>>, vector<2048x32xi32>
    %get3A_55 = arith.constant 0 : index
    %get3A_56 = arith.constant 96 : index
    %get3A_57 = vector.load %arg2[%get3A_55, %get3A_56] : memref<2048x128xi32, #tpu.memory_space<vmem>>, vector<2048x32xi32>
    %broadcast_in_dim3A_58 = vector.shape_cast %lt3A_51 : vector<2048x1xi1> to vector<2048x1xi1>
    %broadcast_in_dim3A_59 = vector.broadcast %broadcast_in_dim3A_58 : vector<2048x1xi1> to vector<2048x32xi1>
    %select_n3A_60 = arith.select %broadcast_in_dim3A_59, %get3A_54, %get3A_57 : vector<2048x32xi1>, vector<2048x32xi32>
    %lt3A_61 = arith.constant 2 : i32
    %lt3A_62 = vector.broadcast %lt3A_61 : i32 to vector<2048x1xi32>
    %lt3A_63 = arith.cmpi slt, %get3A_36, %lt3A_62 : vector<2048x1xi32>
    %broadcast_in_dim3A_64 = vector.shape_cast %lt3A_63 : vector<2048x1xi1> to vector<2048x1xi1>
    %broadcast_in_dim3A_65 = vector.broadcast %broadcast_in_dim3A_64 : vector<2048x1xi1> to vector<2048x32xi1>
    %select_n3A_66 = arith.select %broadcast_in_dim3A_65, %select_n3A_48, %select_n3A_60 : vector<2048x32xi1>, vector<2048x32xi32>
    %shift_left3A_67 = arith.constant 16 : i32
    %shift_left3A_68 = vector.broadcast %shift_left3A_67 : i32 to vector<2048x32xi32>
    %shift_left3A_69 = arith.shli %select_n3A_66, %shift_left3A_68 : vector<2048x32xi32>
    %bitcast_convert_type3A_70 = tpu.bitcast %shift_left3A_69 : vector<2048x32xi32> -> vector<2048x32xf32>
    %and3A_71 = arith.constant -65536 : i32
    %and3A_72 = vector.broadcast %and3A_71 : i32 to vector<2048x32xi32>
    %and3A_73 = arith.andi %select_n3A_66, %and3A_72 : vector<2048x32xi32>
    %bitcast_convert_type3A_74 = tpu.bitcast %and3A_73 : vector<2048x32xi32> -> vector<2048x32xf32>
    %get3A_75 = arith.constant 0 : index
    %get3A_76 = arith.constant 0 : index
    %get3A_77 = vector.load %arg5[%get3A_75, %get3A_76] : memref<32x128xf32, #tpu.memory_space<vmem>>, vector<32x128xf32>
    %dot_general3A = arith.constant dense<0.000000e+00> : vector<2048x128xf32>
    %dot_general3A_78 = tpu.matmul %bitcast_convert_type3A, %get3A_77, %dot_general3A {dimension_numbers = #tpu.dot_dimension_numbers<[1], [0], [0], [1], [0, 0, 1, 1], [], []>, transpose_lhs_hint = false} : vector<2048x32xf32>, vector<32x128xf32>, vector<2048x128xf32> -> vector<2048x128xf32>
    %get3A_79 = arith.constant 0 : index
    %get3A_80 = arith.constant 0 : index
    %get3A_81 = vector.load %arg6[%get3A_79, %get3A_80] : memref<32x128xf32, #tpu.memory_space<vmem>>, vector<32x128xf32>
    %dot_general3A_82 = arith.constant dense<0.000000e+00> : vector<2048x128xf32>
    %dot_general3A_83 = tpu.matmul %bitcast_convert_type3A_33, %get3A_81, %dot_general3A_82 {dimension_numbers = #tpu.dot_dimension_numbers<[1], [0], [0], [1], [0, 0, 1, 1], [], []>, transpose_lhs_hint = false} : vector<2048x32xf32>, vector<32x128xf32>, vector<2048x128xf32> -> vector<2048x128xf32>
    %add3A = arith.addf %dot_general3A_78, %dot_general3A_83 : vector<2048x128xf32>
    %get3A_84 = arith.constant 0 : index
    %get3A_85 = arith.constant 0 : index
    %get3A_86 = vector.load %arg7[%get3A_84, %get3A_85] : memref<32x128xf32, #tpu.memory_space<vmem>>, vector<32x128xf32>
    %dot_general3A_87 = arith.constant dense<0.000000e+00> : vector<2048x128xf32>
    %dot_general3A_88 = tpu.matmul %bitcast_convert_type3A_70, %get3A_86, %dot_general3A_87 {dimension_numbers = #tpu.dot_dimension_numbers<[1], [0], [0], [1], [0, 0, 1, 1], [], []>, transpose_lhs_hint = false} : vector<2048x32xf32>, vector<32x128xf32>, vector<2048x128xf32> -> vector<2048x128xf32>
    %add3A_89 = arith.addf %add3A, %dot_general3A_88 : vector<2048x128xf32>
    %get3A_90 = arith.constant 0 : index
    %get3A_91 = arith.constant 0 : index
    %get3A_92 = vector.load %arg8[%get3A_90, %get3A_91] : memref<32x128xf32, #tpu.memory_space<vmem>>, vector<32x128xf32>
    %dot_general3A_93 = arith.constant dense<0.000000e+00> : vector<2048x128xf32>
    %dot_general3A_94 = tpu.matmul %bitcast_convert_type3A_74, %get3A_92, %dot_general3A_93 {dimension_numbers = #tpu.dot_dimension_numbers<[1], [0], [0], [1], [0, 0, 1, 1], [], []>, transpose_lhs_hint = false} : vector<2048x32xf32>, vector<32x128xf32>, vector<2048x128xf32> -> vector<2048x128xf32>
    %add3A_95 = arith.addf %add3A_89, %dot_general3A_94 : vector<2048x128xf32>
    %get3A_96 = arith.constant 0 : index
    %get3A_97 = arith.constant 0 : index
    %get3A_98 = vector.load %arg9[%get3A_96, %get3A_97] : memref<1x128xf32, #tpu.memory_space<vmem>>, vector<1x128xf32>
    %add3A_99 = vector.broadcast %get3A_98 : vector<1x128xf32> to vector<2048x128xf32>
    %add3A_100 = arith.addf %add3A_95, %add3A_99 : vector<2048x128xf32>
    %get3A_101 = arith.constant 0 : index
    %get3A_102 = arith.constant 0 : index
    %get3A_103 = vector.load %arg10[%get3A_101, %get3A_102] : memref<1x128xf32, #tpu.memory_space<vmem>>, vector<1x128xf32>
    %max3A = arith.constant 0.000000e+00 : f32
    %max3A_104 = vector.broadcast %max3A : f32 to vector<2048x128xf32>
    %max3A_105 = arith.maximumf %add3A_100, %max3A_104 : vector<2048x128xf32>
    %mul3A = arith.constant 0.999994993 : f32
    %mul3A_106 = vector.broadcast %mul3A : f32 to vector<2048x128xf32>
    %mul3A_107 = arith.mulf %max3A_105, %mul3A_106 : vector<2048x128xf32>
    %mul3A_108 = vector.broadcast %get3A_103 : vector<1x128xf32> to vector<2048x128xf32>
    %mul3A_109 = arith.mulf %mul3A_108, %mul3A_107 : vector<2048x128xf32>
    %get3A_110 = arith.constant 0 : index
    %get3A_111 = arith.constant 0 : index
    %get3A_112 = vector.load %arg11[%get3A_110, %get3A_111] : memref<1x128xf32, #tpu.memory_space<vmem>>, vector<1x128xf32>
    %add3A_113 = vector.broadcast %get3A_112 : vector<1x128xf32> to vector<2048x128xf32>
    %add3A_114 = arith.addf %mul3A_109, %add3A_113 : vector<2048x128xf32>
    %get3A_115 = arith.constant 0 : index
    %get3A_116 = arith.constant 0 : index
    %get3A_117 = vector.load %arg12[%get3A_115, %get3A_116] : memref<128x64xf32, #tpu.memory_space<vmem>>, vector<128x64xf32>
    %dot_general3A_118 = arith.constant dense<0.000000e+00> : vector<2048x64xf32>
    %dot_general3A_119 = tpu.matmul %add3A_114, %get3A_117, %dot_general3A_118 {dimension_numbers = #tpu.dot_dimension_numbers<[1], [0], [0], [1], [0, 0, 1, 1], [], []>, transpose_lhs_hint = false} : vector<2048x128xf32>, vector<128x64xf32>, vector<2048x64xf32> -> vector<2048x64xf32>
    %get3A_120 = arith.constant 0 : index
    %get3A_121 = arith.constant 0 : index
    %get3A_122 = vector.load %arg13[%get3A_120, %get3A_121] : memref<1x64xf32, #tpu.memory_space<vmem>>, vector<1x64xf32>
    %add3A_123 = vector.broadcast %get3A_122 : vector<1x64xf32> to vector<2048x64xf32>
    %add3A_124 = arith.addf %dot_general3A_119, %add3A_123 : vector<2048x64xf32>
    %get3A_125 = arith.constant 0 : index
    %get3A_126 = arith.constant 0 : index
    %get3A_127 = vector.load %arg14[%get3A_125, %get3A_126] : memref<1x64xf32, #tpu.memory_space<vmem>>, vector<1x64xf32>
    %max3A_128 = arith.constant 0.000000e+00 : f32
    %max3A_129 = vector.broadcast %max3A_128 : f32 to vector<2048x64xf32>
    %max3A_130 = arith.maximumf %add3A_124, %max3A_129 : vector<2048x64xf32>
    %mul3A_131 = arith.constant 0.999994993 : f32
    %mul3A_132 = vector.broadcast %mul3A_131 : f32 to vector<2048x64xf32>
    %mul3A_133 = arith.mulf %max3A_130, %mul3A_132 : vector<2048x64xf32>
    %mul3A_134 = vector.broadcast %get3A_127 : vector<1x64xf32> to vector<2048x64xf32>
    %mul3A_135 = arith.mulf %mul3A_134, %mul3A_133 : vector<2048x64xf32>
    %get3A_136 = arith.constant 0 : index
    %get3A_137 = arith.constant 0 : index
    %get3A_138 = vector.load %arg15[%get3A_136, %get3A_137] : memref<1x64xf32, #tpu.memory_space<vmem>>, vector<1x64xf32>
    %add3A_139 = vector.broadcast %get3A_138 : vector<1x64xf32> to vector<2048x64xf32>
    %add3A_140 = arith.addf %mul3A_135, %add3A_139 : vector<2048x64xf32>
    %get3A_141 = arith.constant 0 : index
    %get3A_142 = arith.constant 0 : index
    %get3A_143 = vector.load %arg16[%get3A_141, %get3A_142] : memref<64x32xf32, #tpu.memory_space<vmem>>, vector<64x32xf32>
    %dot_general3A_144 = arith.constant dense<0.000000e+00> : vector<2048x32xf32>
    %dot_general3A_145 = tpu.matmul %add3A_140, %get3A_143, %dot_general3A_144 {dimension_numbers = #tpu.dot_dimension_numbers<[1], [0], [0], [1], [0, 0, 1, 1], [], []>, transpose_lhs_hint = false} : vector<2048x64xf32>, vector<64x32xf32>, vector<2048x32xf32> -> vector<2048x32xf32>
    %get3A_146 = arith.constant 0 : index
    %get3A_147 = arith.constant 0 : index
    %get3A_148 = vector.load %arg17[%get3A_146, %get3A_147] : memref<1x32xf32, #tpu.memory_space<vmem>>, vector<1x32xf32>
    %add3A_149 = vector.broadcast %get3A_148 : vector<1x32xf32> to vector<2048x32xf32>
    %add3A_150 = arith.addf %dot_general3A_145, %add3A_149 : vector<2048x32xf32>
    %get3A_151 = arith.constant 0 : index
    %get3A_152 = arith.constant 0 : index
    %get3A_153 = vector.load %arg18[%get3A_151, %get3A_152] : memref<1x32xf32, #tpu.memory_space<vmem>>, vector<1x32xf32>
    %max3A_154 = arith.constant 0.000000e+00 : f32
    %max3A_155 = vector.broadcast %max3A_154 : f32 to vector<2048x32xf32>
    %max3A_156 = arith.maximumf %add3A_150, %max3A_155 : vector<2048x32xf32>
    %mul3A_157 = arith.constant 0.999994993 : f32
    %mul3A_158 = vector.broadcast %mul3A_157 : f32 to vector<2048x32xf32>
    %mul3A_159 = arith.mulf %max3A_156, %mul3A_158 : vector<2048x32xf32>
    %mul3A_160 = vector.broadcast %get3A_153 : vector<1x32xf32> to vector<2048x32xf32>
    %mul3A_161 = arith.mulf %mul3A_160, %mul3A_159 : vector<2048x32xf32>
    %get3A_162 = arith.constant 0 : index
    %get3A_163 = arith.constant 0 : index
    %get3A_164 = vector.load %arg19[%get3A_162, %get3A_163] : memref<1x32xf32, #tpu.memory_space<vmem>>, vector<1x32xf32>
    %add3A_165 = vector.broadcast %get3A_164 : vector<1x32xf32> to vector<2048x32xf32>
    %add3A_166 = arith.addf %mul3A_161, %add3A_165 : vector<2048x32xf32>
    %get3A_167 = arith.constant 0 : index
    %get3A_168 = arith.constant 0 : index
    %get3A_169 = vector.load %arg20[%get3A_167, %get3A_168] : memref<32x1xf32, #tpu.memory_space<vmem>>, vector<32x1xf32>
    %dot_general3A_170 = arith.constant dense<0.000000e+00> : vector<2048x1xf32>
    %dot_general3A_171 = tpu.matmul %add3A_166, %get3A_169, %dot_general3A_170 {dimension_numbers = #tpu.dot_dimension_numbers<[1], [0], [0], [1], [0, 0, 1, 1], [], []>, transpose_lhs_hint = false} : vector<2048x32xf32>, vector<32x1xf32>, vector<2048x1xf32> -> vector<2048x1xf32>
    %get3A_172 = arith.constant 0 : index
    %get3A_173 = arith.constant 0 : index
    %get3A_174 = vector.load %arg21[%get3A_172, %get3A_173] : memref<1x1xf32, #tpu.memory_space<vmem>>, vector<1x1xf32>
    %add3A_175 = vector.broadcast %get3A_174 : vector<1x1xf32> to vector<2048x1xf32>
    %add3A_176 = arith.addf %dot_general3A_171, %add3A_175 : vector<2048x1xf32>
    %logistic3A = arith.negf %add3A_176 : vector<2048x1xf32>
    %logistic3A_177 = math.exp %logistic3A : vector<2048x1xf32>
    %logistic3A_178 = arith.constant 1.000000e+00 : f32
    %logistic3A_179 = vector.broadcast %logistic3A_178 : f32 to vector<2048x1xf32>
    %logistic3A_180 = arith.addf %logistic3A_179, %logistic3A_177 : vector<2048x1xf32>
    %logistic3A_181 = arith.divf %logistic3A_179, %logistic3A_180 : vector<2048x1xf32>
    %swap3A = arith.constant 0 : index
    %swap3A_182 = arith.constant 0 : index
    %swap3A_183 = vector.load %arg22[%swap3A, %swap3A_182] : memref<2048x1xf32, #tpu.memory_space<vmem>>, vector<2048x1xf32>
    tpu.vector_store %arg22[%swap3A, %swap3A_182], %logistic3A_181 {strides = array<i32>} : memref<2048x1xf32, #tpu.memory_space<vmem>>, vector<2048x1xf32>,
    return
  }
  func.func @transform_0(%arg0: i32) -> (i32, i32) {
    %c0_i32 = arith.constant 0 : i32
    %c0_i32_0 = arith.constant 0 : i32
    return %arg0, %c0_i32 : i32, i32
  }
  func.func @transform_1(%arg0: i32) -> (i32, i32) {
    %c0_i32 = arith.constant 0 : i32
    %c0_i32_0 = arith.constant 0 : i32
    return %arg0, %c0_i32 : i32, i32
  }
  func.func @transform_2(%arg0: i32) -> (i32, i32) {
    %c0_i32 = arith.constant 0 : i32
    %c0_i32_0 = arith.constant 0 : i32
    return %arg0, %c0_i32 : i32, i32
  }
  func.func @transform_3(%arg0: i32) -> (i32, i32) {
    %c0_i32 = arith.constant 0 : i32
    %c0_i32_0 = arith.constant 0 : i32
    return %arg0, %c0_i32 : i32, i32
  }
  func.func @transform_4(%arg0: i32) -> (i32, i32) {
    %c0_i32 = arith.constant 0 : i32
    %c0_i32_0 = arith.constant 0 : i32
    %c0_i32_1 = arith.constant 0 : i32
    return %c0_i32, %c0_i32_0 : i32, i32
  }
  func.func @transform_5(%arg0: i32) -> (i32, i32) {
    %c0_i32 = arith.constant 0 : i32
    %c0_i32_0 = arith.constant 0 : i32
    %c0_i32_1 = arith.constant 0 : i32
    return %c0_i32, %c0_i32_0 : i32, i32
  }
  func.func @transform_6(%arg0: i32) -> (i32, i32) {
    %c0_i32 = arith.constant 0 : i32
    %c0_i32_0 = arith.constant 0 : i32
    %c0_i32_1 = arith.constant 0 : i32
    return %c0_i32, %c0_i32_0 : i32, i32
  }
  func.func @transform_7(%arg0: i32) -> (i32, i32) {
    %c0_i32 = arith.constant 0 : i32
    %c0_i32_0 = arith.constant 0 : i32
    %c0_i32_1 = arith.constant 0 : i32
    return %c0_i32, %c0_i32_0 : i32, i32
  }
  func.func @transform_8(%arg0: i32) -> (i32, i32) {
    %c0_i32 = arith.constant 0 : i32
    %c0_i32_0 = arith.constant 0 : i32
    %c0_i32_1 = arith.constant 0 : i32
    return %c0_i32, %c0_i32_0 : i32, i32
  }
  func.func @transform_9(%arg0: i32) -> (i32, i32) {
    %c0_i32 = arith.constant 0 : i32
    %c0_i32_0 = arith.constant 0 : i32
    %c0_i32_1 = arith.constant 0 : i32
    return %c0_i32, %c0_i32_0 : i32, i32
  }
  func.func @transform_10(%arg0: i32) -> (i32, i32) {
    %c0_i32 = arith.constant 0 : i32
    %c0_i32_0 = arith.constant 0 : i32
    %c0_i32_1 = arith.constant 0 : i32
    return %c0_i32, %c0_i32_0 : i32, i32
  }
  func.func @transform_11(%arg0: i32) -> (i32, i32) {
    %c0_i32 = arith.constant 0 : i32
    %c0_i32_0 = arith.constant 0 : i32
    %c0_i32_1 = arith.constant 0 : i32
    return %c0_i32, %c0_i32_0 : i32, i32
  }
  func.func @transform_12(%arg0: i32) -> (i32, i32) {
    %c0_i32 = arith.constant 0 : i32
    %c0_i32_0 = arith.constant 0 : i32
    %c0_i32_1 = arith.constant 0 : i32
    return %c0_i32, %c0_i32_0 : i32, i32
  }
  func.func @transform_13(%arg0: i32) -> (i32, i32) {
    %c0_i32 = arith.constant 0 : i32
    %c0_i32_0 = arith.constant 0 : i32
    %c0_i32_1 = arith.constant 0 : i32
    return %c0_i32, %c0_i32_0 : i32, i32
  }
  func.func @transform_14(%arg0: i32) -> (i32, i32) {
    %c0_i32 = arith.constant 0 : i32
    %c0_i32_0 = arith.constant 0 : i32
    %c0_i32_1 = arith.constant 0 : i32
    return %c0_i32, %c0_i32_0 : i32, i32
  }
  func.func @transform_15(%arg0: i32) -> (i32, i32) {
    %c0_i32 = arith.constant 0 : i32
    %c0_i32_0 = arith.constant 0 : i32
    %c0_i32_1 = arith.constant 0 : i32
    return %c0_i32, %c0_i32_0 : i32, i32
  }
  func.func @transform_16(%arg0: i32) -> (i32, i32) {
    %c0_i32 = arith.constant 0 : i32
    %c0_i32_0 = arith.constant 0 : i32
    %c0_i32_1 = arith.constant 0 : i32
    return %c0_i32, %c0_i32_0 : i32, i32
  }
  func.func @transform_17(%arg0: i32) -> (i32, i32) {
    %c0_i32 = arith.constant 0 : i32
    %c0_i32_0 = arith.constant 0 : i32
    %c0_i32_1 = arith.constant 0 : i32
    return %c0_i32, %c0_i32_0 : i32, i32
  }
  func.func @transform_18(%arg0: i32) -> (i32, i32) {
    %c0_i32 = arith.constant 0 : i32
    %c0_i32_0 = arith.constant 0 : i32
    %c0_i32_1 = arith.constant 0 : i32
    return %c0_i32, %c0_i32_0 : i32, i32
  }
  func.func @transform_19(%arg0: i32) -> (i32, i32) {
    %c0_i32 = arith.constant 0 : i32
    %c0_i32_0 = arith.constant 0 : i32
    %c0_i32_1 = arith.constant 0 : i32
    return %c0_i32, %c0_i32_0 : i32, i32
  }
  func.func @transform_20(%arg0: i32) -> (i32, i32) {
    %c0_i32 = arith.constant 0 : i32
    %c0_i32_0 = arith.constant 0 : i32
    %c0_i32_1 = arith.constant 0 : i32
    return %c0_i32, %c0_i32_0 : i32, i32
  }
  func.func @transform_21(%arg0: i32) -> (i32, i32) {
    %c0_i32 = arith.constant 0 : i32
    %c0_i32_0 = arith.constant 0 : i32
    return %arg0, %c0_i32 : i32, i32
  }
}

</mosaic_0001>

<sc_bundles>
// kernel: kernel.6.cloned.1.call-start
scs
__scs_entry_jumppad:
0x0: {  	(pc) =	sbr.rel $0x88, $3  }
0x1: {  	(tag) =	ssettag $0x0;
	lr =	simm.s32 $0x1  }
0x2: {  	[smem:$0x3F8F] =	sst lr;
	_ =	strace $0xD0000000  }
0x3: {  	_ = 	snop  }
0x4: {  	_ = 	snop  }
0x5: {  	_ = 	snop  }
0x6: {  	_ = 	snop  }
0x7: {  	_ = 	snop  }
__scs_overlays_trampoline_lowered:
0x8: {  	[smem:$0x3F9E] =	sst s0  }
0x9: {  	[smem:$0x3F9F] =	sst s1  }
0xa: {  	[smem:$0x3FA0] =	sst s2  }
0xb: {  	[smem:$0x3FA1] =	sst s3  }
0xc: {  	[smem:$0x3FA2] =	sst s4  }
0xd: {  	[smem:$0x3FA3] =	sst s5  }
0xe: {  	[smem:$0x3FA4] =	sst s6  }
0xf: {  	[smem:$0x3FA5] =	sst s7  }
0x10: {  	[smem:$0x3FA6] =	sst s8  }
0x11: {  	[smem:$0x3FA7] =	sst s9;
	s0 =	simm.s32 @!p0 $0x0  }
0x12: {  	s1 =	sld [smem:$0x3F8D];
	s0 =	simm.s32 @p0 $0x1  }
0x13: {  	[smem:$0x3FA8] =	sst s0;
	s0 =	simm.s32 @!p1 $0x0  }
0x14: {  	s2 =	sld [smem:$0x3F8C];
	s0 =	simm.s32 @p1 $0x1  }
0x15: {  	[smem:$0x3FA9] =	sst s0;
	s0 =	simm.s32 @!p2 $0x0  }
0x16: {  	s3 =	sld [smem:$0x3FDB];
	s0 =	simm.s32 @p2 $0x1  }
0x17: {  	s4 =	simm.s32 $0x1BF5;
	[smem:$0x3FAB] =	sst s0  }
0x18: {  	s0 =	sld [smem:$0x3F8E];
	_ =	swait.ge [sflag:s4], $0x0  }
0x19: {  	s7 =	sld [smem:$0x3F8F]  }
0x1a: {  	s8 =	sadd.s32 $0xFFFFE003, lr  }
0x1b: {  	s9 =	sadd.s32 $0xFFFFFEF7, lr;
	s5 =	simm.s32 $0xFFFFFFFF;
	p2 =	slt.u32 s8, $0xFFFFF086  }
0x1c: {  	p1 =	slt.u32 s9, $0xF7A;
	s5 =	simm.s32 @!p2 $0x0  }
0x1d: {  	s5 =	simm.s32 @p1 $0x1;
	p0 =	seq.s32 s7, s2  }
0x1e: {  	s7 =	smul.u32 @!p0 $0xF7A, s2;
	p2 =	seq.s32 @!p0 s5, $0x0  }
0x1f: {  	s9 =	smul.u32 $0xF7A, s1;
	s8 =	simm.s32 @!p0 $0x1BF5;
	p2 =	por !p2, p0  }
0x20: {  	[sflag:s8] =	ssyncset.s32 @!p0 $0xFFFFF086;
	s6 =	sadd.s32 @!p0 s3, s7;
	s7 =	simm.s32 @!p0 $0x108  }
0x21: {  	s3 =	sadd.s32 s3, s9;
	s6 =	sadd.s32 @!p0 $0x88, s6;
	s7 =	simm.s32 @p2 $0x1082  }
0x22: {  	[simem:s7], [sflag:s8] =	dma.local @!p0 [hbm:s6], $0xF7A  }
0x23: {  	s9 =	sor.u32 $0xD0000000, s2;
	s6 =	simm.s32 $0x108;
	_ =	swait.ge @!p0 [sflag:s8], $0x0  }
0x24: {  	s3 =	sadd.s32 $0x88, s3;
	s6 =	simm.s32 @!p1 $0x1082;
	[sflag:s4] =	ssyncset.s32 $0xFFFFF086  }
0x25: {  	[simem:s6], [sflag:s4] =	dma.local [hbm:s3], $0xF7A  }
0x26: {  	[smem:$0x3F8F] =	sst s1;
	(tag) =	ssettag s2;
	_ =	strace s9  }
0x27: {  	s1 =	sld [smem:$0x3F9F]  }
0x28: {  	s2 =	sld [smem:$0x3FA0]  }
0x29: {  	s4 =	sld [smem:$0x3FA2]  }
0x2a: {  	p0 =	seq.s32 s5, $0x0;
	s5 =	sld [smem:$0x3FA3]  }
0x2b: {  	s6 =	sld [smem:$0x3FA4]  }
0x2c: {  	s7 =	sld [smem:$0x3FA5]  }
0x2d: {  	s3 =	simm.s32 $0x108;
	s8 =	sld [smem:$0x3FA6]  }
0x2e: {  	s3 =	simm.s32 @!p0 $0x1082;
	s9 =	sld [smem:$0x3FA7]  }
0x2f: {  	lr =	sadd.s32 s0, s3;
	s0 =	sld [smem:$0x3F9E]  }
0x30: {  	s3 =	sld [smem:$0x3FA1]  }
0x31: {  	[smem:$0x3FAA] =	sst s10  }
0x32: {  	s10 =	sld [smem:$0x3FA8];
	_ =	sdelay $0x3  }
0x33: {  	p0 =	seq.s32 s10, $0x1;
	s10 =	sld [smem:$0x3FAA];
	_ =	sdelay $0x3  }
0x34: {  	[smem:$0x3FAA] =	sst s10  }
0x35: {  	s10 =	sld [smem:$0x3FA9];
	_ =	sdelay $0x3  }
0x36: {  	p1 =	seq.s32 s10, $0x1;
	s10 =	sld [smem:$0x3FAA];
	_ =	sdelay $0x3  }
0x37: {  	[smem:$0x3FAA] =	sst s10  }
0x38: {  	s10 =	sld [smem:$0x3FAB]  }
0x39: {  	_ = 	snop;
	(pc) =	sbr.ind lr, $3  }
0x3a: {  	_ = 	snop  }
0x3b: {  	_ = 	snop  }
0x3c: {  	p2 =	seq.s32 s10, $0x1;
	s10 =	sld [smem:$0x3FAA]  }
0x3d: {  	_ =	shalt  }
0x3e: {  	_ =	shalt  }
0x3f: {  	_ =	shalt  }
0x40: {  	_ =	shalt  }
0x41: {  	_ =	shalt  }
0x42: {  	_ =	shalt  }
0x43: {  	_ =	shalt  }
0x44: {  	_ =	shalt  }
0x45: {  	_ =	shalt  }
0x46: {  	_ =	shalt  }
0x47: {  	_ =	shalt  }
0x48: {  	_ =	shalt  }
0x49: {  	_ =	shalt  }
0x4a: {  	_ =	shalt  }
0x4b: {  	_ =	shalt  }
0x4c: {  	_ =	shalt  }
0x4d: {  	_ =	shalt  }
0x4e: {  	_ =	shalt  }
0x4f: {  	_ =	shalt  }
0x50: {  	_ =	shalt  }
0x51: {  	_ =	shalt  }
0x52: {  	_ =	shalt  }
0x53: {  	_ =	shalt  }
0x54: {  	_ =	shalt  }
0x55: {  	_ =	shalt  }
0x56: {  	_ =	shalt  }
0x57: {  	_ =	shalt  }
0x58: {  	_ =	shalt  }
0x59: {  	_ =	shalt  }
0x5a: {  	_ =	shalt  }
0x5b: {  	_ =	shalt  }
0x5c: {  	_ =	shalt  }
0x5d: {  	_ =	shalt  }
0x5e: {  	_ =	shalt  }
0x5f: {  	_ =	shalt  }
0x60: {  	_ =	shalt  }
0x61: {  	_ =	shalt  }
0x62: {  	_ =	shalt  }
0x63: {  	_ =	shalt  }
0x64: {  	_ =	shalt  }
0x65: {  	_ =	shalt  }
0x66: {  	_ =	shalt  }
0x67: {  	_ =	shalt  }
0x68: {  	_ =	shalt  }
0x69: {  	_ =	shalt  }
0x6a: {  	_ =	shalt  }
0x6b: {  	_ =	shalt  }
0x6c: {  	_ =	shalt  }
0x6d: {  	_ =	shalt  }
0x6e: {  	_ =	shalt  }
0x6f: {  	_ =	shalt  }
0x70: {  	_ =	shalt  }
0x71: {  	_ =	shalt  }
0x72: {  	_ =	shalt  }
0x73: {  	_ =	shalt  }
0x74: {  	_ =	shalt  }
0x75: {  	_ =	shalt  }
0x76: {  	_ =	shalt  }
0x77: {  	_ =	shalt  }
0x78: {  	_ =	shalt  }
0x79: {  	_ =	shalt  }
0x7a: {  	_ =	shalt  }
0x7b: {  	_ =	shalt  }
0x7c: {  	_ =	shalt  }
0x7d: {  	_ =	shalt  }
0x7e: {  	_ =	shalt  }
0x7f: {  	_ =	shalt  }
0x80: {  	_ =	shalt  }
0x81: {  	_ =	shalt  }
0x82: {  	_ =	shalt  }
0x83: {  	_ =	shalt  }
0x84: {  	_ =	shalt  }
0x85: {  	_ =	shalt  }
0x86: {  	_ =	shalt  }
0x87: {  	_ =	shalt  }
.Lfunc_end0:
.L_simem_size_0:
called_computation_lowered:
.L_overlay_start_0:
0x88: {  	s2 =	sld [smem:$0x3FD9]  }
0x89: {  	s3 =	sld [smem:$0x3FFE];
	_ =	sdelay $0x1  }
0x8a: {  	s1 =	srdreg.scid  }
0x8b: {  	s0 =	sand.u32 $0x1, s1  }
0x8c: {  	s16 =	sshll.u32 s0, $0xA;
	s2 =	sadd.s32 s3, s2  }
0x8d: {  	s2 =	sadd.s32 s2, s16  }
0x8e: {  	[smem:$0x3FB6] =	sst s2  }
0x8f: {  	_ = 	snop  }
0x90: {  	(tm) =	ssettm $0x1  }
0x91: {  	s17 =	sld [smem:$0x3FFB];
	_ =	sdelay $0x3  }
0x92: {  	_ =	strace s17  }
0x93: {  	s2 =	sld [smem:$0x3FFC];
	_ =	sdelay $0x3  }
0x94: {  	_ =	strace s2  }
0x95: {  	s2 =	sld [smem:$0x3FFD];
	_ =	sdelay $0x3  }
0x96: {  	_ =	strace s2  }
0x97: {  	_ =	strace $0x8FFFFFFF  }
0x98: {  	s18 =	sld [smem:$0x3FDB];
	_ =	sdelay $0x1  }
0x99: {  	s19 =	simm.s32 $_scs_section_size  }
0x9a: {  	s4 =	simm.s32 $_size__tile_overlayer_lowered;
	s5 =	simm.s32 $_tile_overlayer_lowered  }
0x9b: {  	s22 =	simm.s32 $0x1BFF;
	s21 =	sshll.u32 s5, $0x1;
	s2 =	sadd.s32 s19, s18  }
0x9c: {  	s6 =	simm.s32 $0x0;
	s20 =	sshll.u32 s4, $0x1;
	s4 =	sadd.s32 s21, s2  }
0x9d: {  	[timem:s6], [sflag:s22] =	dma.local [hbm:s4], s20  }
0x9e: {  	_ =	swait.ge [sflag:s22], s20  }
0x9f: {  	s3 =	ssub.s32 $0x0, s20;
	[sflag:s22] =	ssyncset.done $0x0  }
0xa0: {  	[sflag:s22] =	ssyncadd.s32 s3;
	_ =	sdelay $0x1  }
0xa1: {  	s23 =	simm.s32 $0x1B8B  }
0xa2: {  	_ =	swait.ge [sflag:s23], $0x1  }
0xa3: {  	[sflag:s23] =	ssyncset.done $0x0  }
0xa4: {  	s25 =	simm.s32 $0x1B8E;
	s24 =	sld [smem:$0x3FFE];
	[sflag:s23] =	ssyncadd.s32 $0xFFFFFFFF  }
0xa5: {  	s26 =	simm.s32 $execute0_lowered;
	[smem:$0x3FD2] =	sst s25  }
0xa6: {  	s4 =	sshll.u32 s26, $0x1;
	_ =	strace $0x80000046;
	[dreg:$0x1] =	wrdreg $0xFFFFFFFF  }
0xa7: {  	s28 =	simm.s32 $_size_execute0_lowered;
	s2 =	sadd.s32 s2, s4;
	[dreg:$0x0] =	wrdreg $0x0  }
0xa8: {  	s4 =	sshll.u32 s28, $0x1;
	[dreg:$0x2] =	wrdreg s2  }
0xa9: {  	[dreg:$0x3] =	wrdreg s4  }
0xaa: {  	[dreg:$0x4] =	wrdreg $0xC0  }
0xab: {  	_ =	task [dreg:s6], $0x5FFFF  }
0xac: {  	[dreg:$0x1] =	wrdreg $0xFFFFFFFF  }
0xad: {  	[dreg:$0x0] =	wrdreg $0x60  }
0xae: {  	[dreg:$0x2] =	wrdreg s24  }
0xaf: {  	[dreg:$0x3] =	wrdreg $0x9  }
0xb0: {  	_ =	task.clear_ibuf [dreg:s6], $0x4FFFF;
	_ =	strace $0x90000046  }
0xb1: {  	s29 =	simm.s32 $0x9;
	_ =	strace $0x80000048  }
0xb2: {  	_ =	swait.ge [sflag:s29], $0x1  }
0xb3: {  	[sflag:s29] =	ssyncadd.s32 $0xFFFFFFFF  }
0xb4: {  	_ =	strace $0x90000048  }
0xb5: {  	_ =	sfence  }
0xb6: {  	s30 =	sld [smem:$0x0];
	_ =	sdelay $0x2  }
0xb7: {  	s31 =	sshll.u32 s1, $0xD;
	s1 =	sshrl.u32 s1, $0x2  }
0xb8: {  	s3 =	sand.u32 $0x4000, s31;
	s1 =	sadd.s32 s1, s30  }
0xb9: {  	s0 =	sor.u32 s3, s0;
	s1 =	sshll.u32 s1, $0x11  }
0xba: {  	s0 =	sor.u32 s1, s0  }
0xbb: {  	s0 =	sadd.s32 $0x8F2B, s0  }
0xbc: {  	[sflag:s0] =	ssyncadd.remote.s32 $0x1  }
0xbd: {  	_ =	sfence.sel $0xFFFF  }
0xbe: {  	[dreg:$0x0] =	wrdreg $0xFFFFFFFF;
	(pc) =	sbr.abs _section_cstart, $3  }
0xbf: {  	[dreg:$0x1] =	wrdreg $0xFFFFFFFF  }
0xc0: {  	_ =	task.clear_ibuf [dreg:s6], $0x2FFFF;
	_ =	strace $0x9FFFFFFF  }
0xc1: {  	(tm) =	ssettm $0x7FFFFFFF  }
tec
execute0_lowered:
.L_overlay_start_1:
0x0: {  	(tag) =	ssettag $0x1  }
0x1: {  	s21 =	rddreg [dreg:$0x0]  }
0x2: {  	s0 =	rddreg [dreg:$0x1]  }
0x3: {  	s3 =	srdreg.scid;
	s1 =	stileid.u32  }
0x4: {  	s2 =	simm.s32 $0x0;
	s26 =	sand.u32 $0x1, s3;
	s29 =	sshll.u32 s1, $0x1  }
0x5: {  	[smem:$0x7FF] =	sst s2;
	s14 =	sor.u32 s26, s29  }
0x6: {  	s15 =	sshll.u32 s1, $0xA;
	s30 =	sshll.u32 s26, $0x9;
	s11 =	sshll.u32 s14, $0x2  }
0x7: {  	s18 =	sadd.s32 $0x7A4800, s21;
	s3 =	sor.u32 s30, s15;
	s16 =	sor.u32 $0x1, s11  }
0x8: {  	_ =	strace $0x80000047;
	s17 =	sshrl.u32 s3, $0x3;
	s4 =	sshll.u32 s16, $0x7  }
0x9: {  	s3 =	sadd.s32 s18, s17;
	s5 =	sand.u32 $0x280, s4;
	s4 =	simm.s32 $0x3  }
0xa: {  	[tilespmem:s2], [sflag:$0x3] =	stream.linear.gather [hbm4b:s3+s2], $0x80, $0x38;
	[tilespmem:$0x8100] =	vst v63  }
0xb: {  	s7 =	simm.s32 $0x100;
	_ =	swait.ge [sflag:s4], $0x80  }
0xc: {  	s6 =	sor.u32 s15, s5;
	s5 =	sadd.s32 $0x2C00, s21;
	[sflag:s4] =	ssyncset.done $0x0  }
0xd: {  	s20 =	sshrl.u32 s6, $0x3;
	s6 =	simm.s32 $0x80;
	[sflag:s4] =	ssyncadd.s32 $0xFFFFFF80  }
0xe: {  	[tilespmem:s7], [sflag:$0x1] =	stream.indirect.gather [hbm4b:s5+s6], $0x80, s2, s6, $0xb8;
	[tilespmem:$0x8100] =	vst v63  }
0xf: {  	s8 =	sadd.s32 s18, s20  }
0x10: {  	[tilespmem:s6], [sflag:$0x3] =	stream.linear.gather [hbm4b:s8+s2], $0x80, $0x38;
	[tilespmem:$0x8100] =	vst v63  }
0x11: {  	_ =	swait.ge [sflag:s4], $0x80  }
0x12: {  	[sflag:s4] =	ssyncset.done $0x0  }
0x13: {  	s9 =	simm.s32 $0x4100;
	s10 =	simm.s32 $0x1;
	[sflag:s4] =	ssyncadd.s32 $0xFFFFFF80  }
0x14: {  	[tilespmem:s9], [sflag:$0x2] =	stream.indirect.gather [hbm4b:s5+s6], $0x80, s6, s6, $0xb8;
	[tilespmem:$0x8100] =	vst v63  }
0x15: {  	s19 =	sadd.s32 $0x7A5800, s21;
	s28 =	sor.u32 $0x2, s11;
	_ =	swait.ge [sflag:s10], $0x4000  }
0x16: {  	s22 =	sshll.u32 s14, $0xD;
	s12 =	sshll.u32 s28, $0x7;
	[sflag:s10] =	ssyncset.done $0x0  }
0x17: {  	s11 =	sadd.s32 s19, s22;
	s12 =	sand.u32 $0x300, s12;
	[sflag:s10] =	ssyncadd.s32 $0xFFFFC000  }
0x18: {  	[hbm4b:s11+s2] =	stream.linear.scatter [tilespmem:s7], [sflag:$0x3], $0x4000, $0x38;
	[tilespmem:$0x8100] =	vst v63  }
0x19: {  	s12 =	sor.u32 s15, s12;
	_ =	swait.ge [sflag:s4], $0x4000  }
0x1a: {  	s23 =	sshrl.u32 s12, $0x3;
	[sflag:s4] =	ssyncset.done $0x0  }
0x1b: {  	s12 =	sadd.s32 s18, s23;
	[sflag:s4] =	ssyncadd.s32 $0xFFFFC000  }
0x1c: {  	[tilespmem:s2], [sflag:$0x3] =	stream.linear.gather [hbm4b:s12+s2], $0x80, $0x38;
	[tilespmem:$0x8100] =	vst v63  }
0x1d: {  	_ =	swait.ge [sflag:s4], $0x80  }
0x1e: {  	[sflag:s4] =	ssyncset.done $0x0  }
0x1f: {  	s13 =	simm.s32 $0x2;
	[sflag:s4] =	ssyncadd.s32 $0xFFFFFF80  }
0x20: {  	[tilespmem:s7], [sflag:$0x1] =	stream.indirect.gather [hbm4b:s5+s6], $0x80, s2, s6, $0xb8;
	[tilespmem:$0x8100] =	vst v63  }
0x21: {  	s29 =	sshllo.u32 s14, $0x2;
	_ =	swait.ge [sflag:s13], $0x4000  }
0x22: {  	s14 =	sshll.u32 s29, $0x7;
	s24 =	sshll.u32 s16, $0xB;
	[sflag:s13] =	ssyncset.done $0x0  }
0x23: {  	s31 =	sand.u32 $0x380, s14;
	s14 =	sadd.s32 s19, s24;
	[sflag:s13] =	ssyncadd.s32 $0xFFFFC000  }
0x24: {  	[hbm4b:s14+s2] =	stream.linear.scatter [tilespmem:s9], [sflag:$0x3], $0x4000, $0x38;
	[tilespmem:$0x8100] =	vst v63  }
0x25: {  	s15 =	sor.u32 s15, s31;
	_ =	swait.ge [sflag:s4], $0x4000  }
0x26: {  	s25 =	sshrl.u32 s15, $0x3;
	[sflag:s4] =	ssyncset.done $0x0  }
0x27: {  	s15 =	sadd.s32 s18, s25;
	[sflag:s4] =	ssyncadd.s32 $0xFFFFC000  }
0x28: {  	[tilespmem:s6], [sflag:$0x3] =	stream.linear.gather [hbm4b:s15+s2], $0x80, $0x38;
	[tilespmem:$0x8100] =	vst v63  }
0x29: {  	_ =	swait.ge [sflag:s4], $0x80  }
0x2a: {  	[sflag:s4] =	ssyncset.done $0x0  }
0x2b: {  	[sflag:s4] =	ssyncadd.s32 $0xFFFFFF80  }
0x2c: {  	[tilespmem:s9], [sflag:$0x2] =	stream.indirect.gather [hbm4b:s5+s6], $0x80, s6, s6, $0xb8;
	[tilespmem:$0x8100] =	vst v63  }
0x2d: {  	_ =	swait.ge [sflag:s10], $0x4000  }
0x2e: {  	s28 =	sshll.u32 s28, $0xB;
	[sflag:s10] =	ssyncset.done $0x0  }
0x2f: {  	s16 =	sadd.s32 s19, s28;
	[sflag:s10] =	ssyncadd.s32 $0xFFFFC000  }
0x30: {  	[hbm4b:s16+s2] =	stream.linear.scatter [tilespmem:s7], [sflag:$0x3], $0x4000, $0x38;
	[tilespmem:$0x8100] =	vst v63  }
0x31: {  	_ =	swait.ge [sflag:s4], $0x4000  }
0x32: {  	s30 =	sadd.s32 $0x7A5000, s21;
	[sflag:s4] =	ssyncset.done $0x0  }
0x33: {  	s17 =	sadd.s32 s30, s17;
	[sflag:s4] =	ssyncadd.s32 $0xFFFFC000  }
0x34: {  	[tilespmem:s2], [sflag:$0x3] =	stream.linear.gather [hbm4b:s17+s2], $0x80, $0x38;
	[tilespmem:$0x8100] =	vst v63  }
0x35: {  	_ =	swait.ge [sflag:s4], $0x80  }
0x36: {  	[sflag:s4] =	ssyncset.done $0x0  }
0x37: {  	s18 =	sadd.s32 $0x3D3600, s21;
	[sflag:s4] =	ssyncadd.s32 $0xFFFFFF80  }
0x38: {  	[tilespmem:s7], [sflag:$0x1] =	stream.indirect.gather [hbm4b:s18+s6], $0x80, s2, s6, $0xb8;
	[tilespmem:$0x8100] =	vst v63  }
0x39: {  	_ =	swait.ge [sflag:s13], $0x4000  }
0x3a: {  	s29 =	sshll.u32 s29, $0xB;
	[sflag:s13] =	ssyncset.done $0x0  }
0x3b: {  	s19 =	sadd.s32 s19, s29;
	[sflag:s13] =	ssyncadd.s32 $0xFFFFC000  }
0x3c: {  	[hbm4b:s19+s2] =	stream.linear.scatter [tilespmem:s9], [sflag:$0x3], $0x4000, $0x38;
	[tilespmem:$0x8100] =	vst v63  }
0x3d: {  	_ =	swait.ge [sflag:s4], $0x4000  }
0x3e: {  	[sflag:s4] =	ssyncset.done $0x0  }
0x3f: {  	s20 =	sadd.s32 s30, s20;
	[sflag:s4] =	ssyncadd.s32 $0xFFFFC000  }
0x40: {  	[tilespmem:s6], [sflag:$0x3] =	stream.linear.gather [hbm4b:s20+s2], $0x80, $0x38;
	[tilespmem:$0x8100] =	vst v63  }
0x41: {  	_ =	swait.ge [sflag:s4], $0x80  }
0x42: {  	[sflag:s4] =	ssyncset.done $0x0  }
0x43: {  	[sflag:s4] =	ssyncadd.s32 $0xFFFFFF80  }
0x44: {  	[tilespmem:s9], [sflag:$0x2] =	stream.indirect.gather [hbm4b:s18+s6], $0x80, s6, s6, $0xb8;
	[tilespmem:$0x8100] =	vst v63  }
0x45: {  	_ =	swait.ge [sflag:s10], $0x4000  }
0x46: {  	s31 =	sadd.s32 $0x7E5800, s21;
	[sflag:s10] =	ssyncset.done $0x0  }
0x47: {  	s21 =	sadd.s32 s31, s22;
	[sflag:s10] =	ssyncadd.s32 $0xFFFFC000  }
0x48: {  	[hbm4b:s21+s2] =	stream.linear.scatter [tilespmem:s7], [sflag:$0x3], $0x4000, $0x38;
	[tilespmem:$0x8100] =	vst v63  }
0x49: {  	_ =	swait.ge [sflag:s4], $0x4000  }
0x4a: {  	[sflag:s4] =	ssyncset.done $0x0  }
0x4b: {  	s22 =	sadd.s32 s30, s23;
	[sflag:s4] =	ssyncadd.s32 $0xFFFFC000  }
0x4c: {  	[tilespmem:s2], [sflag:$0x3] =	stream.linear.gather [hbm4b:s22+s2], $0x80, $0x38;
	[tilespmem:$0x8100] =	vst v63  }
0x4d: {  	_ =	swait.ge [sflag:s4], $0x80  }
0x4e: {  	[sflag:s4] =	ssyncset.done $0x0  }
0x4f: {  	[sflag:s4] =	ssyncadd.s32 $0xFFFFFF80  }
0x50: {  	[tilespmem:s7], [sflag:$0x1] =	stream.indirect.gather [hbm4b:s18+s6], $0x80, s2, s6, $0xb8;
	[tilespmem:$0x8100] =	vst v63  }
0x51: {  	_ =	swait.ge [sflag:s13], $0x4000  }
0x52: {  	[sflag:s13] =	ssyncset.done $0x0  }
0x53: {  	s23 =	sadd.s32 s31, s24;
	[sflag:s13] =	ssyncadd.s32 $0xFFFFC000  }
0x54: {  	[hbm4b:s23+s2] =	stream.linear.scatter [tilespmem:s9], [sflag:$0x3], $0x4000, $0x38;
	[tilespmem:$0x8100] =	vst v63  }
0x55: {  	_ =	swait.ge [sflag:s4], $0x4000  }
0x56: {  	[sflag:s4] =	ssyncset.done $0x0  }
0x57: {  	s24 =	sadd.s32 s30, s25;
	[sflag:s4] =	ssyncadd.s32 $0xFFFFC000  }
0x58: {  	[tilespmem:s6], [sflag:$0x3] =	stream.linear.gather [hbm4b:s24+s2], $0x80, $0x38;
	[tilespmem:$0x8100] =	vst v63  }
0x59: {  	_ =	swait.ge [sflag:s4], $0x80  }
0x5a: {  	[sflag:s4] =	ssyncset.done $0x0  }
0x5b: {  	[sflag:s4] =	ssyncadd.s32 $0xFFFFFF80  }
0x5c: {  	[tilespmem:s9], [sflag:$0x2] =	stream.indirect.gather [hbm4b:s18+s6], $0x80, s6, s6, $0xb8;
	[tilespmem:$0x8100] =	vst v63  }
0x5d: {  	_ =	swait.ge [sflag:s10], $0x4000  }
0x5e: {  	[sflag:s10] =	ssyncset.done $0x0  }
0x5f: {  	s26 =	ssub.s32 $0x2, s26;
	s25 =	sadd.s32 s31, s28;
	[sflag:s10] =	ssyncadd.s32 $0xFFFFC000  }
0x60: {  	[hbm4b:s25+s2] =	stream.linear.scatter [tilespmem:s7], [sflag:$0x3], $0x4000, $0x38;
	[tilespmem:$0x8100] =	vst v63  }
0x61: {  	s28 =	sshrl.u32 s26, $0x1;
	_ =	swait.ge [sflag:s4], $0x4000  }
0x62: {  	s28 =	ssub.s32 s26, s28;
	[sflag:s4] =	ssyncset.done $0x0  }
0x63: {  	s28 =	smax.u32 s28, $0x1;
	[sflag:s4] =	ssyncadd.s32 $0xFFFFC000  }
0x64: {  	p0 =	sne.s32 s28, $0x1;
	_ =	swait.ge [sflag:s13], $0x4000  }
.Ltmp0:
0x65: {  	[sflag:s13] =	ssyncset.done $0x0;
	(pc) =	sbr.rel @!p0 .LBB2_2-.Ltmp0, $4  }
0x66: {  	s26 =	sadd.s32 s31, s29;
	[sflag:s13] =	ssyncadd.s32 $0xFFFFC000  }
0x67: {  	[hbm4b:s26+s2] =	stream.linear.scatter [tilespmem:s9], [sflag:$0x3], $0x4000, $0x38;
	[tilespmem:$0x8100] =	vst v63  }
0x68: {  	_ =	swait.ge [sflag:s4], $0x4000  }
0x69: {  	s28 =	sadd.s32 $0xFFFFFFFF, s28;
	[sflag:s4] =	ssyncset.done $0x0  }
.LBB2_1:
0x6a: {  	p0 =	sne.s32 s28, $0x1;
	s28 =	sadd.s32 $0xFFFFFFFF, s28;
	[sflag:s4] =	ssyncadd.s32 $0xFFFFC000  }
0x6b: {  	[tilespmem:s2], [sflag:$0x3] =	stream.linear.gather [hbm4b:s3+s2], $0x80, $0x38;
	[tilespmem:$0x8100] =	vst v63  }
0x6c: {  	_ =	swait.ge [sflag:s4], $0x80  }
0x6d: {  	[sflag:s4] =	ssyncset.done $0x0  }
0x6e: {  	[sflag:s4] =	ssyncadd.s32 $0xFFFFFF80  }
0x6f: {  	[tilespmem:s7], [sflag:$0x1] =	stream.indirect.gather [hbm4b:s5+s6], $0x80, s2, s6, $0xb8;
	[tilespmem:$0x8100] =	vst v63  }
0x70: {  	_ = 	snop  }
0x71: {  	[tilespmem:s6], [sflag:$0x3] =	stream.linear.gather [hbm4b:s8+s2], $0x80, $0x38;
	[tilespmem:$0x8100] =	vst v63  }
0x72: {  	_ =	swait.ge [sflag:s4], $0x80  }
0x73: {  	[sflag:s4] =	ssyncset.done $0x0  }
0x74: {  	[sflag:s4] =	ssyncadd.s32 $0xFFFFFF80  }
0x75: {  	[tilespmem:s9], [sflag:$0x2] =	stream.indirect.gather [hbm4b:s5+s6], $0x80, s6, s6, $0xb8;
	[tilespmem:$0x8100] =	vst v63  }
0x76: {  	_ =	swait.ge [sflag:s10], $0x4000  }
0x77: {  	[sflag:s10] =	ssyncset.done $0x0  }
0x78: {  	[sflag:s10] =	ssyncadd.s32 $0xFFFFC000  }
0x79: {  	[hbm4b:s11+s2] =	stream.linear.scatter [tilespmem:s7], [sflag:$0x3], $0x4000, $0x38;
	[tilespmem:$0x8100] =	vst v63  }
0x7a: {  	_ =	swait.ge [sflag:s4], $0x4000  }
0x7b: {  	[sflag:s4] =	ssyncset.done $0x0  }
0x7c: {  	[sflag:s4] =	ssyncadd.s32 $0xFFFFC000  }
0x7d: {  	[tilespmem:s2], [sflag:$0x3] =	stream.linear.gather [hbm4b:s12+s2], $0x80, $0x38;
	[tilespmem:$0x8100] =	vst v63  }
0x7e: {  	_ =	swait.ge [sflag:s4], $0x80  }
0x7f: {  	[sflag:s4] =	ssyncset.done $0x0  }
0x80: {  	[sflag:s4] =	ssyncadd.s32 $0xFFFFFF80  }
0x81: {  	[tilespmem:s7], [sflag:$0x1] =	stream.indirect.gather [hbm4b:s5+s6], $0x80, s2, s6, $0xb8;
	[tilespmem:$0x8100] =	vst v63  }
0x82: {  	_ =	swait.ge [sflag:s13], $0x4000  }
0x83: {  	[sflag:s13] =	ssyncset.done $0x0  }
0x84: {  	[sflag:s13] =	ssyncadd.s32 $0xFFFFC000  }
0x85: {  	[hbm4b:s14+s2] =	stream.linear.scatter [tilespmem:s9], [sflag:$0x3], $0x4000, $0x38;
	[tilespmem:$0x8100] =	vst v63  }
0x86: {  	_ =	swait.ge [sflag:s4], $0x4000  }
0x87: {  	[sflag:s4] =	ssyncset.done $0x0  }
0x88: {  	[sflag:s4] =	ssyncadd.s32 $0xFFFFC000  }
0x89: {  	[tilespmem:s6], [sflag:$0x3] =	stream.linear.gather [hbm4b:s15+s2], $0x80, $0x38;
	[tilespmem:$0x8100] =	vst v63  }
0x8a: {  	_ =	swait.ge [sflag:s4], $0x80  }
0x8b: {  	[sflag:s4] =	ssyncset.done $0x0  }
0x8c: {  	[sflag:s4] =	ssyncadd.s32 $0xFFFFFF80  }
0x8d: {  	[tilespmem:s9], [sflag:$0x2] =	stream.indirect.gather [hbm4b:s5+s6], $0x80, s6, s6, $0xb8;
	[tilespmem:$0x8100] =	vst v63  }
0x8e: {  	_ =	swait.ge [sflag:s10], $0x4000  }
0x8f: {  	[sflag:s10] =	ssyncset.done $0x0  }
0x90: {  	[sflag:s10] =	ssyncadd.s32 $0xFFFFC000  }
0x91: {  	[hbm4b:s16+s2] =	stream.linear.scatter [tilespmem:s7], [sflag:$0x3], $0x4000, $0x38;
	[tilespmem:$0x8100] =	vst v63  }
0x92: {  	_ =	swait.ge [sflag:s4], $0x4000  }
0x93: {  	[sflag:s4] =	ssyncset.done $0x0  }
0x94: {  	[sflag:s4] =	ssyncadd.s32 $0xFFFFC000  }
0x95: {  	[tilespmem:s2], [sflag:$0x3] =	stream.linear.gather [hbm4b:s17+s2], $0x80, $0x38;
	[tilespmem:$0x8100] =	vst v63  }
0x96: {  	_ =	swait.ge [sflag:s4], $0x80  }
0x97: {  	[sflag:s4] =	ssyncset.done $0x0  }
0x98: {  	[sflag:s4] =	ssyncadd.s32 $0xFFFFFF80  }
0x99: {  	[tilespmem:s7], [sflag:$0x1] =	stream.indirect.gather [hbm4b:s18+s6], $0x80, s2, s6, $0xb8;
	[tilespmem:$0x8100] =	vst v63  }
0x9a: {  	_ =	swait.ge [sflag:s13], $0x4000  }
0x9b: {  	[sflag:s13] =	ssyncset.done $0x0  }
0x9c: {  	[sflag:s13] =	ssyncadd.s32 $0xFFFFC000  }
0x9d: {  	[hbm4b:s19+s2] =	stream.linear.scatter [tilespmem:s9], [sflag:$0x3], $0x4000, $0x38;
	[tilespmem:$0x8100] =	vst v63  }
0x9e: {  	_ =	swait.ge [sflag:s4], $0x4000  }
0x9f: {  	[sflag:s4] =	ssyncset.done $0x0  }
0xa0: {  	[sflag:s4] =	ssyncadd.s32 $0xFFFFC000  }
0xa1: {  	[tilespmem:s6], [sflag:$0x3] =	stream.linear.gather [hbm4b:s20+s2], $0x80, $0x38;
	[tilespmem:$0x8100] =	vst v63  }
0xa2: {  	_ =	swait.ge [sflag:s4], $0x80  }
0xa3: {  	[sflag:s4] =	ssyncset.done $0x0  }
0xa4: {  	[sflag:s4] =	ssyncadd.s32 $0xFFFFFF80  }
0xa5: {  	[tilespmem:s9], [sflag:$0x2] =	stream.indirect.gather [hbm4b:s18+s6], $0x80, s6, s6, $0xb8;
	[tilespmem:$0x8100] =	vst v63  }
0xa6: {  	_ =	swait.ge [sflag:s10], $0x4000  }
0xa7: {  	[sflag:s10] =	ssyncset.done $0x0  }
0xa8: {  	[sflag:s10] =	ssyncadd.s32 $0xFFFFC000  }
0xa9: {  	[hbm4b:s21+s2] =	stream.linear.scatter [tilespmem:s7], [sflag:$0x3], $0x4000, $0x38;
	[tilespmem:$0x8100] =	vst v63  }
0xaa: {  	_ =	swait.ge [sflag:s4], $0x4000  }
0xab: {  	[sflag:s4] =	ssyncset.done $0x0  }
0xac: {  	[sflag:s4] =	ssyncadd.s32 $0xFFFFC000  }
0xad: {  	[tilespmem:s2], [sflag:$0x3] =	stream.linear.gather [hbm4b:s22+s2], $0x80, $0x38;
	[tilespmem:$0x8100] =	vst v63  }
0xae: {  	_ =	swait.ge [sflag:s4], $0x80  }
0xaf: {  	[sflag:s4] =	ssyncset.done $0x0  }
0xb0: {  	[sflag:s4] =	ssyncadd.s32 $0xFFFFFF80  }
0xb1: {  	[tilespmem:s7], [sflag:$0x1] =	stream.indirect.gather [hbm4b:s18+s6], $0x80, s2, s6, $0xb8;
	[tilespmem:$0x8100] =	vst v63  }
0xb2: {  	_ =	swait.ge [sflag:s13], $0x4000  }
0xb3: {  	[sflag:s13] =	ssyncset.done $0x0  }
0xb4: {  	[sflag:s13] =	ssyncadd.s32 $0xFFFFC000  }
0xb5: {  	[hbm4b:s23+s2] =	stream.linear.scatter [tilespmem:s9], [sflag:$0x3], $0x4000, $0x38;
	[tilespmem:$0x8100] =	vst v63  }
0xb6: {  	_ =	swait.ge [sflag:s4], $0x4000  }
0xb7: {  	[sflag:s4] =	ssyncset.done $0x0  }
0xb8: {  	[sflag:s4] =	ssyncadd.s32 $0xFFFFC000  }
0xb9: {  	[tilespmem:s6], [sflag:$0x3] =	stream.linear.gather [hbm4b:s24+s2], $0x80, $0x38;
	[tilespmem:$0x8100] =	vst v63  }
0xba: {  	_ =	swait.ge [sflag:s4], $0x80  }
0xbb: {  	[sflag:s4] =	ssyncset.done $0x0  }
0xbc: {  	[sflag:s4] =	ssyncadd.s32 $0xFFFFFF80  }
0xbd: {  	[tilespmem:s9], [sflag:$0x2] =	stream.indirect.gather [hbm4b:s18+s6], $0x80, s6, s6, $0xb8;
	[tilespmem:$0x8100] =	vst v63  }
0xbe: {  	_ =	swait.ge [sflag:s10], $0x4000  }
0xbf: {  	[sflag:s10] =	ssyncset.done $0x0  }
0xc0: {  	[sflag:s10] =	ssyncadd.s32 $0xFFFFC000  }
0xc1: {  	[hbm4b:s25+s2] =	stream.linear.scatter [tilespmem:s7], [sflag:$0x3], $0x4000, $0x38;
	[tilespmem:$0x8100] =	vst v63  }
0xc2: {  	_ =	swait.ge [sflag:s4], $0x4000  }
0xc3: {  	[sflag:s4] =	ssyncset.done $0x0  }
0xc4: {  	[sflag:s4] =	ssyncadd.s32 $0xFFFFC000  }
0xc5: {  	_ =	swait.ge [sflag:s13], $0x4000  }
.Ltmp1:
0xc6: {  	[sflag:s13] =	ssyncset.done $0x0;
	(pc) =	sbr.rel @p0 .LBB2_1-.Ltmp1, $4  }
0xc7: {  	[sflag:s13] =	ssyncadd.s32 $0xFFFFC000  }
0xc8: {  	[hbm4b:s26+s2] =	stream.linear.scatter [tilespmem:s9], [sflag:$0x3], $0x4000, $0x38;
	[tilespmem:$0x8100] =	vst v63  }
0xc9: {  	_ =	swait.ge [sflag:s4], $0x4000  }
0xca: {  	[sflag:s4] =	ssyncset.done $0x0  }
.LBB2_2:
0xcb: {  	[sflag:s4] =	ssyncadd.s32 $0xFFFFC000  }
0xcc: {  	_ =	sfence.sel $0x180000  }
0xcd: {  	[bflag:$0x0] =	sbarrier.arrive $0xFFFF  }
0xce: {  	p0 =	sne.s32 s1, $0x0;
	_ =	strace $0x90000047  }
0xcf: {  	s0 =	sadd.s32 @!p0 $0x100000, s0;
	[bflag:$0x2] =	sbarrier.arrive $0xFFFF  }
0xd0: {  	[sflag:s0] =	ssyncadd.tile.s32 @!p0 $0x1;
	_ =	shalt  }
.Lfunc_end2:
_tile_overlayer_lowered:
.L_overlay_start_2:
0xd1: {  	(tag) =	ssettag $0x2  }
0xd2: {  	s0 =	rddreg [dreg:$0x0];
	s2 =	stileid.u32  }
0xd3: {  	s1 =	rddreg [dreg:$0x1];
	p0 =	sne.s32 s2, $0x0  }
0xd4: {  	s3 =	rddreg [dreg:$0x2];
	[bflag:$0x3] =	sbarrier.arrive $0xFFFF;
	s2 =	simm.s32 @!p0 $0x1C03  }
0xd5: {  	[timem:s3], [sflag:s2] =	dma.local @!p0 [hbm:s0], s1  }
0xd6: {  	s0 =	simm.s32 @!p0 $0x3  }
0xd7: {  	_ =	swait.ge @!p0 [sflag:s0], s1  }
0xd8: {  	s1 =	ssub.s32 @!p0 $0x0, s1;
	[sflag:s0] =	ssyncset.done @!p0 $0x0  }
0xd9: {  	[sflag:s0] =	ssyncadd.s32 @!p0 s1  }
0xda: {  	[bflag:$0x3] =	sbarrier.arrive $0xFFFF  }
0xdb: {  	_ =	shalt  }

</sc_bundles>
